<compile_context>
chip_gen: v7x
topology: tpu7x:2x2x1
jax: 0.10.2.dev20260603
libtpu: 0.0.44.dev20260713+nightly
codegen_flags: <defaults>
</compile_context>

<pallas_src>
import functools

import jax
import jax.numpy as jnp
from jax import lax
from jax.experimental import pallas as pl
from jax.experimental.pallas import tpu as pltpu
from jax.experimental.pallas import tpu_sc as plsc

_LANES = 16


@functools.partial(jax.jit, static_argnames=("nw",))
def _sc_embed(x, token_table, pos_table, *, nw):
    batch, seq = x.shape
    hidden = token_table.shape[1]
    spw = seq // nw
    half = spw // 2
    win = 128
    lanes = hidden // _LANES

    mesh = plsc.VectorSubcoreMesh(core_axis_name="c", subcore_axis_name="s")

    @functools.partial(
        pl.kernel,
        out_type=jax.ShapeDtypeStruct((batch * seq, hidden), jnp.float32),
        mesh=mesh,
        scratch_types=[
            pltpu.VMEM((batch, win), jnp.int32),
            pltpu.VMEM((batch * spw, hidden), jnp.float32),
            pltpu.VMEM((spw, hidden), jnp.float32),
            [pltpu.SemaphoreType.DMA] * 4,
            [pltpu.SemaphoreType.DMA] * 8,
            pltpu.SemaphoreType.DMA,
            pltpu.SemaphoreType.DMA,
        ],
    )
    def body(x_hbm, tok_hbm, pos_hbm, out_hbm, idx_v, rows_v, pos_v,
             isems, gsems, psem, wsem):
        wid = lax.axis_index("s") * 2 + lax.axis_index("c")
        s0 = wid * spw
        w0 = (s0 // win) * win
        off = s0 - w0

        icps = [
            pltpu.async_copy(
                x_hbm.at[pl.ds(b, 1), pl.ds(w0, win)],
                idx_v.at[pl.ds(b, 1)],
                isems[b],
            )
            for b in range(batch)
        ]
        pcp = pltpu.async_copy(pos_hbm.at[pl.ds(s0, spw)], pos_v, psem)

        gcps = {}
        for b in range(batch):
            icps[b].wait()
            gcps[(0, b)] = pltpu.async_copy(
                tok_hbm.at[idx_v.at[b, pl.ds(off, half)]],
                rows_v.at[pl.ds(b * spw, half)],
                gsems[b],
            )
        for b in range(batch):
            gcps[(1, b)] = pltpu.async_copy(
                tok_hbm.at[idx_v.at[b, pl.ds(off + half, half)]],
                rows_v.at[pl.ds(b * spw + half, half)],
                gsems[batch + b],
            )
        pcp.wait()

        wcps = []
        for h in range(2):
            for b in range(batch):
                gcps[(h, b)].wait()

            def add_row(r, carry, _h=h):
                base = _h * half + r
                for j in range(lanes):
                    sl = pl.ds(j * _LANES, _LANES)
                    v = pos_v[base, sl]
                    for b in range(batch):
                        plsc.addupdate(rows_v.at[b * spw + base, sl], v)
                return carry

            lax.fori_loop(0, half, add_row, 0)
            for b in range(batch):
                wcps.append(
                    pltpu.async_copy(
                        rows_v.at[pl.ds(b * spw + h * half, half)],
                        out_hbm.at[pl.ds(b * seq + s0 + h * half, half)],
                        wsem,
                    )
                )
        for cp in wcps:
            cp.wait()

    return body(x, token_table, pos_table)


def kernel(x, token_table, pos_table):
    batch, seq = x.shape
    hidden = token_table.shape[1]
    out = _sc_embed(x.astype(jnp.int32), token_table, pos_table, nw=32)
    return out.reshape(batch, seq, hidden)

# --- scband reference (transcript-rebuilt; emitter-appended) ---
"""Pipeline reference for scband-input-embedding-89988154786353 (READ-ONLY COPY).

The authoritative reference and input builder live on the scoring server;
editing this copy changes nothing except your own understanding.
"""

import jax, jax.numpy as jnp
import numpy as np

VOCAB = 100000
HIDDEN = 128
MAX_POS = 2048
BATCH = 4
SEQ = 2048


def setup_inputs(seed: int = 0) -> dict:
    key = jax.random.key(seed)
    k1, k2, k3 = jax.random.split(key, 3)
    x = jax.random.randint(k1, (BATCH, SEQ), 0, VOCAB, dtype=jnp.int64 if jax.config.jax_enable_x64 else jnp.int32)
    token_table = jax.random.normal(k2, (VOCAB, HIDDEN), dtype=jnp.float32) * 0.02
    pos_table = jax.random.normal(k3, (MAX_POS, HIDDEN), dtype=jnp.float32) * 0.02
    return {"x": x, "token_table": token_table, "pos_table": pos_table}


def reference(x, token_table, pos_table):
    batch_size, seq_len = x.shape
    pos = jnp.arange(seq_len)[None, :]
    tok_emb = jnp.take(token_table, x, axis=0)
    pos_emb = jnp.take(pos_table, pos, axis=0)
    out = tok_emb + pos_emb
    # dropout with p=0.0 (eval/identity)
    return out

if __name__ == "__main__":
    import jax
    _d = setup_inputs()
    print(jax.jit(kernel)(*tuple(_d.values())))

</pallas_src>

<mosaic_0001>
#map = affine_map<(d0, d1) -> (0, 0)>
module attributes {stable_mosaic.version = 14 : i64} {
  func.func @body(%arg0: i32, %arg1: i32, %arg2: memref<4x2048xi32, #tpu.memory_space<hbm>>, %arg3: memref<100000x128xf32, #tpu.memory_space<hbm>>, %arg4: memref<2048x128xf32, #tpu.memory_space<hbm>>, %arg5: memref<8192x128xf32, #tpu.memory_space<hbm>>, %arg6: memref<4x128xi32, #tpu.memory_space<vmem>>, %arg7: memref<256x128xf32, #tpu.memory_space<vmem>>, %arg8: memref<64x128xf32, #tpu.memory_space<vmem>>, %arg9: memref<!tpu.dma_semaphore, #tpu.memory_space<semaphore_mem>>, %arg10: memref<!tpu.dma_semaphore, #tpu.memory_space<semaphore_mem>>, %arg11: memref<!tpu.dma_semaphore, #tpu.memory_space<semaphore_mem>>, %arg12: memref<!tpu.dma_semaphore, #tpu.memory_space<semaphore_mem>>, %arg13: memref<!tpu.dma_semaphore, #tpu.memory_space<semaphore_mem>>, %arg14: memref<!tpu.dma_semaphore, #tpu.memory_space<semaphore_mem>>, %arg15: memref<!tpu.dma_semaphore, #tpu.memory_space<semaphore_mem>>, %arg16: memref<!tpu.dma_semaphore, #tpu.memory_space<semaphore_mem>>, %arg17: memref<!tpu.dma_semaphore, #tpu.memory_space<semaphore_mem>>, %arg18: memref<!tpu.dma_semaphore, #tpu.memory_space<semaphore_mem>>, %arg19: memref<!tpu.dma_semaphore, #tpu.memory_space<semaphore_mem>>, %arg20: memref<!tpu.dma_semaphore, #tpu.memory_space<semaphore_mem>>, %arg21: memref<!tpu.dma_semaphore, #tpu.memory_space<semaphore_mem>>, %arg22: memref<!tpu.dma_semaphore, #tpu.memory_space<semaphore_mem>>) attributes {dimension_semantics = [#tpu.dimension_semantics<core_parallel>, #tpu.dimension_semantics<subcore_parallel>], iteration_bounds = array<i64: 2, 16>, scalar_prefetch = 0 : i64, scratch_operands = 17 : i64, tpu.core_type = #tpu.core_type<sc_vector_subcore>, window_params = [{transform_indices = #map}, {transform_indices = #map}, {transform_indices = #map}, {transform_indices = #map}]} {
    %mul3A = arith.constant 2 : i32
    %mul3A_0 = arith.muli %arg1, %mul3A : i32
    %add3A = arith.addi %mul3A_0, %arg0 : i32
    %mul3A_1 = arith.constant 64 : i32
    %mul3A_2 = arith.muli %add3A, %mul3A_1 : i32
    %jit3A = arith.constant 128 : i32
    %div3A = arith.divsi %mul3A_2, %jit3A : i32
    %sign3A = arith.constant 0 : i32
    %sign3A_3 = arith.cmpi sgt, %mul3A_2, %sign3A : i32
    %sign3A_4 = arith.extui %sign3A_3 : i1 to i32
    %sign3A_5 = arith.constant 0 : i32
    %sign3A_6 = arith.cmpi slt, %mul3A_2, %sign3A_5 : i32
    %sign3A_7 = arith.extui %sign3A_6 : i1 to i32
    %sign3A_8 = arith.subi %sign3A_4, %sign3A_7 : i32
    %sign3A_9 = arith.constant 0 : i32
    %sign3A_10 = arith.cmpi sgt, %jit3A, %sign3A_9 : i32
    %sign3A_11 = arith.extui %sign3A_10 : i1 to i32
    %sign3A_12 = arith.constant 0 : i32
    %sign3A_13 = arith.cmpi slt, %jit3A, %sign3A_12 : i32
    %sign3A_14 = arith.extui %sign3A_13 : i1 to i32
    %sign3A_15 = arith.subi %sign3A_11, %sign3A_14 : i32
    %ne3A = arith.cmpi ne, %sign3A_8, %sign3A_15 : i32
    %rem3A = arith.remsi %mul3A_2, %jit3A : i32
    %ne3A_16 = arith.constant 0 : i32
    %ne3A_17 = arith.cmpi ne, %rem3A, %ne3A_16 : i32
    %and3A = arith.andi %ne3A, %ne3A_17 : i1
    %sub3A = arith.constant 1 : i32
    %sub3A_18 = arith.subi %div3A, %sub3A : i32
    %select_n3A = arith.select %and3A, %sub3A_18, %div3A : i32
    %mul3A_19 = arith.constant 128 : i32
    %mul3A_20 = arith.muli %select_n3A, %mul3A_19 : i32
    %sub3A_21 = arith.subi %mul3A_2, %mul3A_20 : i32
    %dma_start3A = arith.constant 0 : i32
    %dma_start3A_22 = arith.constant 0 : i32
    %dma_start3A_23 = tpu.memref_slice %arg6[%dma_start3A, %dma_start3A_22] : memref<4x128xi32, #tpu.memory_space<vmem>> -> memref<1x128xi32, #tpu.memory_space<vmem>>
    %dma_start3A_24 = arith.constant 0 : i32
    %dma_start3A_25 = tpu.memref_slice %arg2[%dma_start3A_24, %mul3A_20] : memref<4x2048xi32, #tpu.memory_space<hbm>> -> memref<1x128xi32, #tpu.memory_space<hbm>>
    %dma_start3A_26 = arith.constant 0 : i32
    %dma_start3A_27 = arith.constant 0 : i32
    %dma_start3A_28 = tpu.memref_slice %arg6[%dma_start3A_26, %dma_start3A_27] : memref<4x128xi32, #tpu.memory_space<vmem>> -> memref<1x128xi32, #tpu.memory_space<vmem>>
    %dma_start3A_29 = arith.constant 0 : i32
    %dma_start3A_30 = tpu.memref_slice %arg2[%dma_start3A_29, %mul3A_20] : memref<4x2048xi32, #tpu.memory_space<hbm>> -> memref<1x128xi32, #tpu.memory_space<hbm>>
    tpu.enqueue_dma source(%dma_start3A_30 : memref<1x128xi32, #tpu.memory_space<hbm>>) target(%dma_start3A_28 : memref<1x128xi32, #tpu.memory_space<vmem>>) target_semaphore(%arg9 : memref<!tpu.dma_semaphore, #tpu.memory_space<semaphore_mem>>)
    %dma_start3A_31 = arith.constant 1 : i32
    %dma_start3A_32 = arith.constant 0 : i32
    %dma_start3A_33 = tpu.memref_slice %arg6[%dma_start3A_31, %dma_start3A_32] : memref<4x128xi32, #tpu.memory_space<vmem>> -> memref<1x128xi32, #tpu.memory_space<vmem>>
    %dma_start3A_34 = arith.constant 1 : i32
    %dma_start3A_35 = tpu.memref_slice %arg2[%dma_start3A_34, %mul3A_20] : memref<4x2048xi32, #tpu.memory_space<hbm>> -> memref<1x128xi32, #tpu.memory_space<hbm>>
    %dma_start3A_36 = arith.constant 1 : i32
    %dma_start3A_37 = arith.constant 0 : i32
    %dma_start3A_38 = tpu.memref_slice %arg6[%dma_start3A_36, %dma_start3A_37] : memref<4x128xi32, #tpu.memory_space<vmem>> -> memref<1x128xi32, #tpu.memory_space<vmem>>
    %dma_start3A_39 = arith.constant 1 : i32
    %dma_start3A_40 = tpu.memref_slice %arg2[%dma_start3A_39, %mul3A_20] : memref<4x2048xi32, #tpu.memory_space<hbm>> -> memref<1x128xi32, #tpu.memory_space<hbm>>
    tpu.enqueue_dma source(%dma_start3A_40 : memref<1x128xi32, #tpu.memory_space<hbm>>) target(%dma_start3A_38 : memref<1x128xi32, #tpu.memory_space<vmem>>) target_semaphore(%arg10 : memref<!tpu.dma_semaphore, #tpu.memory_space<semaphore_mem>>)
    %dma_start3A_41 = arith.constant 2 : i32
    %dma_start3A_42 = arith.constant 0 : i32
    %dma_start3A_43 = tpu.memref_slice %arg6[%dma_start3A_41, %dma_start3A_42] : memref<4x128xi32, #tpu.memory_space<vmem>> -> memref<1x128xi32, #tpu.memory_space<vmem>>
    %dma_start3A_44 = arith.constant 2 : i32
    %dma_start3A_45 = tpu.memref_slice %arg2[%dma_start3A_44, %mul3A_20] : memref<4x2048xi32, #tpu.memory_space<hbm>> -> memref<1x128xi32, #tpu.memory_space<hbm>>
    %dma_start3A_46 = arith.constant 2 : i32
    %dma_start3A_47 = arith.constant 0 : i32
    %dma_start3A_48 = tpu.memref_slice %arg6[%dma_start3A_46, %dma_start3A_47] : memref<4x128xi32, #tpu.memory_space<vmem>> -> memref<1x128xi32, #tpu.memory_space<vmem>>
    %dma_start3A_49 = arith.constant 2 : i32
    %dma_start3A_50 = tpu.memref_slice %arg2[%dma_start3A_49, %mul3A_20] : memref<4x2048xi32, #tpu.memory_space<hbm>> -> memref<1x128xi32, #tpu.memory_space<hbm>>
    tpu.enqueue_dma source(%dma_start3A_50 : memref<1x128xi32, #tpu.memory_space<hbm>>) target(%dma_start3A_48 : memref<1x128xi32, #tpu.memory_space<vmem>>) target_semaphore(%arg11 : memref<!tpu.dma_semaphore, #tpu.memory_space<semaphore_mem>>)
    %dma_start3A_51 = arith.constant 3 : i32
    %dma_start3A_52 = arith.constant 0 : i32
    %dma_start3A_53 = tpu.memref_slice %arg6[%dma_start3A_51, %dma_start3A_52] : memref<4x128xi32, #tpu.memory_space<vmem>> -> memref<1x128xi32, #tpu.memory_space<vmem>>
    %dma_start3A_54 = arith.constant 3 : i32
    %dma_start3A_55 = tpu.memref_slice %arg2[%dma_start3A_54, %mul3A_20] : memref<4x2048xi32, #tpu.memory_space<hbm>> -> memref<1x128xi32, #tpu.memory_space<hbm>>
    %dma_start3A_56 = arith.constant 3 : i32
    %dma_start3A_57 = arith.constant 0 : i32
    %dma_start3A_58 = tpu.memref_slice %arg6[%dma_start3A_56, %dma_start3A_57] : memref<4x128xi32, #tpu.memory_space<vmem>> -> memref<1x128xi32, #tpu.memory_space<vmem>>
    %dma_start3A_59 = arith.constant 3 : i32
    %dma_start3A_60 = tpu.memref_slice %arg2[%dma_start3A_59, %mul3A_20] : memref<4x2048xi32, #tpu.memory_space<hbm>> -> memref<1x128xi32, #tpu.memory_space<hbm>>
    tpu.enqueue_dma source(%dma_start3A_60 : memref<1x128xi32, #tpu.memory_space<hbm>>) target(%dma_start3A_58 : memref<1x128xi32, #tpu.memory_space<vmem>>) target_semaphore(%arg12 : memref<!tpu.dma_semaphore, #tpu.memory_space<semaphore_mem>>)
    %dma_start3A_61 = arith.constant 0 : i32
    %dma_start3A_62 = tpu.memref_slice %arg4[%mul3A_2, %dma_start3A_61] : memref<2048x128xf32, #tpu.memory_space<hbm>> -> memref<64x128xf32, #tpu.memory_space<hbm>>
    %dma_start3A_63 = arith.constant 0 : i32
    %dma_start3A_64 = tpu.memref_slice %arg4[%mul3A_2, %dma_start3A_63] : memref<2048x128xf32, #tpu.memory_space<hbm>> -> memref<64x128xf32, #tpu.memory_space<hbm>>
    tpu.enqueue_dma source(%dma_start3A_64 : memref<64x128xf32, #tpu.memory_space<hbm>>) target(%arg8 : memref<64x128xf32, #tpu.memory_space<vmem>>) target_semaphore(%arg21 : memref<!tpu.dma_semaphore, #tpu.memory_space<semaphore_mem>>)
    %dma_wait3A = arith.constant 0 : i32
    %dma_wait3A_65 = arith.constant 0 : i32
    %dma_wait3A_66 = tpu.memref_slice %arg6[%dma_wait3A, %dma_wait3A_65] : memref<4x128xi32, #tpu.memory_space<vmem>> -> memref<1x128xi32, #tpu.memory_space<vmem>>
    %dma_wait3A_67 = arith.constant 0 : i32
    %dma_wait3A_68 = tpu.memref_slice %arg2[%dma_wait3A_67, %mul3A_20] : memref<4x2048xi32, #tpu.memory_space<hbm>> -> memref<1x128xi32, #tpu.memory_space<hbm>>
    %dma_wait3A_69 = arith.constant 0 : i32
    %dma_wait3A_70 = arith.constant 0 : i32
    %dma_wait3A_71 = tpu.memref_slice %arg6[%dma_wait3A_69, %dma_wait3A_70] : memref<4x128xi32, #tpu.memory_space<vmem>> -> memref<1x128xi32, #tpu.memory_space<vmem>>
    %dma_wait3A_72 = arith.constant 0 : i32
    %dma_wait3A_73 = tpu.memref_slice %arg2[%dma_wait3A_72, %mul3A_20] : memref<4x2048xi32, #tpu.memory_space<hbm>> -> memref<1x128xi32, #tpu.memory_space<hbm>>
    tpu.wait_dma2 semaphore(%arg9 : memref<!tpu.dma_semaphore, #tpu.memory_space<semaphore_mem>>) src(%dma_wait3A_73 : memref<1x128xi32, #tpu.memory_space<hbm>>) dst(%dma_wait3A_71 : memref<1x128xi32, #tpu.memory_space<vmem>>)
    %dma_start3A_74 = arith.constant 0 : i32
    %dma_start3A_75 = arith.constant 0 : i32
    %dma_start3A_76 = arith.constant 0 : i32
    %dma_start3A_77 = tpu.memref_slice %arg7[%dma_start3A_75, %dma_start3A_76] : memref<256x128xf32, #tpu.memory_space<vmem>> -> memref<32x128xf32, #tpu.memory_space<vmem>>
    %dma_start3A_78 = tpu.memref_slice %arg6[%dma_start3A_74, %sub3A_21] : memref<4x128xi32, #tpu.memory_space<vmem>> -> memref<1x32xi32, #tpu.memory_space<vmem>>
    %dma_start3A_79 = tpu.memref_squeeze %dma_start3A_78 : memref<1x32xi32, #tpu.memory_space<vmem>> -> memref<32xi32, #tpu.memory_space<vmem>>
    %dma_start3A_80 = arith.constant 0 : i32
    %dma_start3A_81 = arith.constant 0 : i32
    %dma_start3A_82 = tpu.memref_slice %arg3[%dma_start3A_80, %dma_start3A_81] : memref<100000x128xf32, #tpu.memory_space<hbm>> -> memref<100000x128xf32, #tpu.memory_space<hbm>>
    tpu.enqueue_indirect_dma source(%dma_start3A_82 : memref<100000x128xf32, #tpu.memory_space<hbm>>) target(%dma_start3A_77 : memref<32x128xf32, #tpu.memory_space<vmem>>) offsets(%dma_start3A_79 : memref<32xi32, #tpu.memory_space<vmem>>) semaphore(%arg13 : memref<!tpu.dma_semaphore, #tpu.memory_space<semaphore_mem>>)
    %dma_wait3A_83 = arith.constant 1 : i32
    %dma_wait3A_84 = arith.constant 0 : i32
    %dma_wait3A_85 = tpu.memref_slice %arg6[%dma_wait3A_83, %dma_wait3A_84] : memref<4x128xi32, #tpu.memory_space<vmem>> -> memref<1x128xi32, #tpu.memory_space<vmem>>
    %dma_wait3A_86 = arith.constant 1 : i32
    %dma_wait3A_87 = tpu.memref_slice %arg2[%dma_wait3A_86, %mul3A_20] : memref<4x2048xi32, #tpu.memory_space<hbm>> -> memref<1x128xi32, #tpu.memory_space<hbm>>
    %dma_wait3A_88 = arith.constant 1 : i32
    %dma_wait3A_89 = arith.constant 0 : i32
    %dma_wait3A_90 = tpu.memref_slice %arg6[%dma_wait3A_88, %dma_wait3A_89] : memref<4x128xi32, #tpu.memory_space<vmem>> -> memref<1x128xi32, #tpu.memory_space<vmem>>
    %dma_wait3A_91 = arith.constant 1 : i32
    %dma_wait3A_92 = tpu.memref_slice %arg2[%dma_wait3A_91, %mul3A_20] : memref<4x2048xi32, #tpu.memory_space<hbm>> -> memref<1x128xi32, #tpu.memory_space<hbm>>
    tpu.wait_dma2 semaphore(%arg10 : memref<!tpu.dma_semaphore, #tpu.memory_space<semaphore_mem>>) src(%dma_wait3A_92 : memref<1x128xi32, #tpu.memory_space<hbm>>) dst(%dma_wait3A_90 : memref<1x128xi32, #tpu.memory_space<vmem>>)
    %dma_start3A_93 = arith.constant 1 : i32
    %dma_start3A_94 = arith.constant 64 : i32
    %dma_start3A_95 = arith.constant 0 : i32
    %dma_start3A_96 = tpu.memref_slice %arg7[%dma_start3A_94, %dma_start3A_95] : memref<256x128xf32, #tpu.memory_space<vmem>> -> memref<32x128xf32, #tpu.memory_space<vmem>>
    %dma_start3A_97 = tpu.memref_slice %arg6[%dma_start3A_93, %sub3A_21] : memref<4x128xi32, #tpu.memory_space<vmem>> -> memref<1x32xi32, #tpu.memory_space<vmem>>
    %dma_start3A_98 = tpu.memref_squeeze %dma_start3A_97 : memref<1x32xi32, #tpu.memory_space<vmem>> -> memref<32xi32, #tpu.memory_space<vmem>>
    %dma_start3A_99 = arith.constant 0 : i32
    %dma_start3A_100 = arith.constant 0 : i32
    %dma_start3A_101 = tpu.memref_slice %arg3[%dma_start3A_99, %dma_start3A_100] : memref<100000x128xf32, #tpu.memory_space<hbm>> -> memref<100000x128xf32, #tpu.memory_space<hbm>>
    tpu.enqueue_indirect_dma source(%dma_start3A_101 : memref<100000x128xf32, #tpu.memory_space<hbm>>) target(%dma_start3A_96 : memref<32x128xf32, #tpu.memory_space<vmem>>) offsets(%dma_start3A_98 : memref<32xi32, #tpu.memory_space<vmem>>) semaphore(%arg14 : memref<!tpu.dma_semaphore, #tpu.memory_space<semaphore_mem>>)
    %dma_wait3A_102 = arith.constant 2 : i32
    %dma_wait3A_103 = arith.constant 0 : i32
    %dma_wait3A_104 = tpu.memref_slice %arg6[%dma_wait3A_102, %dma_wait3A_103] : memref<4x128xi32, #tpu.memory_space<vmem>> -> memref<1x128xi32, #tpu.memory_space<vmem>>
    %dma_wait3A_105 = arith.constant 2 : i32
    %dma_wait3A_106 = tpu.memref_slice %arg2[%dma_wait3A_105, %mul3A_20] : memref<4x2048xi32, #tpu.memory_space<hbm>> -> memref<1x128xi32, #tpu.memory_space<hbm>>
    %dma_wait3A_107 = arith.constant 2 : i32
    %dma_wait3A_108 = arith.constant 0 : i32
    %dma_wait3A_109 = tpu.memref_slice %arg6[%dma_wait3A_107, %dma_wait3A_108] : memref<4x128xi32, #tpu.memory_space<vmem>> -> memref<1x128xi32, #tpu.memory_space<vmem>>
    %dma_wait3A_110 = arith.constant 2 : i32
    %dma_wait3A_111 = tpu.memref_slice %arg2[%dma_wait3A_110, %mul3A_20] : memref<4x2048xi32, #tpu.memory_space<hbm>> -> memref<1x128xi32, #tpu.memory_space<hbm>>
    tpu.wait_dma2 semaphore(%arg11 : memref<!tpu.dma_semaphore, #tpu.memory_space<semaphore_mem>>) src(%dma_wait3A_111 : memref<1x128xi32, #tpu.memory_space<hbm>>) dst(%dma_wait3A_109 : memref<1x128xi32, #tpu.memory_space<vmem>>)
    %dma_start3A_112 = arith.constant 2 : i32
    %dma_start3A_113 = arith.constant 128 : i32
    %dma_start3A_114 = arith.constant 0 : i32
    %dma_start3A_115 = tpu.memref_slice %arg7[%dma_start3A_113, %dma_start3A_114] : memref<256x128xf32, #tpu.memory_space<vmem>> -> memref<32x128xf32, #tpu.memory_space<vmem>>
    %dma_start3A_116 = tpu.memref_slice %arg6[%dma_start3A_112, %sub3A_21] : memref<4x128xi32, #tpu.memory_space<vmem>> -> memref<1x32xi32, #tpu.memory_space<vmem>>
    %dma_start3A_117 = tpu.memref_squeeze %dma_start3A_116 : memref<1x32xi32, #tpu.memory_space<vmem>> -> memref<32xi32, #tpu.memory_space<vmem>>
    %dma_start3A_118 = arith.constant 0 : i32
    %dma_start3A_119 = arith.constant 0 : i32
    %dma_start3A_120 = tpu.memref_slice %arg3[%dma_start3A_118, %dma_start3A_119] : memref<100000x128xf32, #tpu.memory_space<hbm>> -> memref<100000x128xf32, #tpu.memory_space<hbm>>
    tpu.enqueue_indirect_dma source(%dma_start3A_120 : memref<100000x128xf32, #tpu.memory_space<hbm>>) target(%dma_start3A_115 : memref<32x128xf32, #tpu.memory_space<vmem>>) offsets(%dma_start3A_117 : memref<32xi32, #tpu.memory_space<vmem>>) semaphore(%arg15 : memref<!tpu.dma_semaphore, #tpu.memory_space<semaphore_mem>>)
    %dma_wait3A_121 = arith.constant 3 : i32
    %dma_wait3A_122 = arith.constant 0 : i32
    %dma_wait3A_123 = tpu.memref_slice %arg6[%dma_wait3A_121, %dma_wait3A_122] : memref<4x128xi32, #tpu.memory_space<vmem>> -> memref<1x128xi32, #tpu.memory_space<vmem>>
    %dma_wait3A_124 = arith.constant 3 : i32
    %dma_wait3A_125 = tpu.memref_slice %arg2[%dma_wait3A_124, %mul3A_20] : memref<4x2048xi32, #tpu.memory_space<hbm>> -> memref<1x128xi32, #tpu.memory_space<hbm>>
    %dma_wait3A_126 = arith.constant 3 : i32
    %dma_wait3A_127 = arith.constant 0 : i32
    %dma_wait3A_128 = tpu.memref_slice %arg6[%dma_wait3A_126, %dma_wait3A_127] : memref<4x128xi32, #tpu.memory_space<vmem>> -> memref<1x128xi32, #tpu.memory_space<vmem>>
    %dma_wait3A_129 = arith.constant 3 : i32
    %dma_wait3A_130 = tpu.memref_slice %arg2[%dma_wait3A_129, %mul3A_20] : memref<4x2048xi32, #tpu.memory_space<hbm>> -> memref<1x128xi32, #tpu.memory_space<hbm>>
    tpu.wait_dma2 semaphore(%arg12 : memref<!tpu.dma_semaphore, #tpu.memory_space<semaphore_mem>>) src(%dma_wait3A_130 : memref<1x128xi32, #tpu.memory_space<hbm>>) dst(%dma_wait3A_128 : memref<1x128xi32, #tpu.memory_space<vmem>>)
    %dma_start3A_131 = arith.constant 3 : i32
    %dma_start3A_132 = arith.constant 192 : i32
    %dma_start3A_133 = arith.constant 0 : i32
    %dma_start3A_134 = tpu.memref_slice %arg7[%dma_start3A_132, %dma_start3A_133] : memref<256x128xf32, #tpu.memory_space<vmem>> -> memref<32x128xf32, #tpu.memory_space<vmem>>
    %dma_start3A_135 = tpu.memref_slice %arg6[%dma_start3A_131, %sub3A_21] : memref<4x128xi32, #tpu.memory_space<vmem>> -> memref<1x32xi32, #tpu.memory_space<vmem>>
    %dma_start3A_136 = tpu.memref_squeeze %dma_start3A_135 : memref<1x32xi32, #tpu.memory_space<vmem>> -> memref<32xi32, #tpu.memory_space<vmem>>
    %dma_start3A_137 = arith.constant 0 : i32
    %dma_start3A_138 = arith.constant 0 : i32
    %dma_start3A_139 = tpu.memref_slice %arg3[%dma_start3A_137, %dma_start3A_138] : memref<100000x128xf32, #tpu.memory_space<hbm>> -> memref<100000x128xf32, #tpu.memory_space<hbm>>
    tpu.enqueue_indirect_dma source(%dma_start3A_139 : memref<100000x128xf32, #tpu.memory_space<hbm>>) target(%dma_start3A_134 : memref<32x128xf32, #tpu.memory_space<vmem>>) offsets(%dma_start3A_136 : memref<32xi32, #tpu.memory_space<vmem>>) semaphore(%arg16 : memref<!tpu.dma_semaphore, #tpu.memory_space<semaphore_mem>>)
    %add3A_140 = arith.constant 32 : i32
    %add3A_141 = arith.addi %sub3A_21, %add3A_140 : i32
    %dma_start3A_142 = arith.constant 0 : i32
    %dma_start3A_143 = arith.constant 32 : i32
    %dma_start3A_144 = arith.constant 0 : i32
    %dma_start3A_145 = tpu.memref_slice %arg7[%dma_start3A_143, %dma_start3A_144] : memref<256x128xf32, #tpu.memory_space<vmem>> -> memref<32x128xf32, #tpu.memory_space<vmem>>
    %dma_start3A_146 = tpu.memref_slice %arg6[%dma_start3A_142, %add3A_141] : memref<4x128xi32, #tpu.memory_space<vmem>> -> memref<1x32xi32, #tpu.memory_space<vmem>>
    %dma_start3A_147 = tpu.memref_squeeze %dma_start3A_146 : memref<1x32xi32, #tpu.memory_space<vmem>> -> memref<32xi32, #tpu.memory_space<vmem>>
    %dma_start3A_148 = arith.constant 0 : i32
    %dma_start3A_149 = arith.constant 0 : i32
    %dma_start3A_150 = tpu.memref_slice %arg3[%dma_start3A_148, %dma_start3A_149] : memref<100000x128xf32, #tpu.memory_space<hbm>> -> memref<100000x128xf32, #tpu.memory_space<hbm>>
    tpu.enqueue_indirect_dma source(%dma_start3A_150 : memref<100000x128xf32, #tpu.memory_space<hbm>>) target(%dma_start3A_145 : memref<32x128xf32, #tpu.memory_space<vmem>>) offsets(%dma_start3A_147 : memref<32xi32, #tpu.memory_space<vmem>>) semaphore(%arg17 : memref<!tpu.dma_semaphore, #tpu.memory_space<semaphore_mem>>)
    %add3A_151 = arith.constant 32 : i32
    %add3A_152 = arith.addi %sub3A_21, %add3A_151 : i32
    %dma_start3A_153 = arith.constant 1 : i32
    %dma_start3A_154 = arith.constant 96 : i32
    %dma_start3A_155 = arith.constant 0 : i32
    %dma_start3A_156 = tpu.memref_slice %arg7[%dma_start3A_154, %dma_start3A_155] : memref<256x128xf32, #tpu.memory_space<vmem>> -> memref<32x128xf32, #tpu.memory_space<vmem>>
    %dma_start3A_157 = tpu.memref_slice %arg6[%dma_start3A_153, %add3A_152] : memref<4x128xi32, #tpu.memory_space<vmem>> -> memref<1x32xi32, #tpu.memory_space<vmem>>
    %dma_start3A_158 = tpu.memref_squeeze %dma_start3A_157 : memref<1x32xi32, #tpu.memory_space<vmem>> -> memref<32xi32, #tpu.memory_space<vmem>>
    %dma_start3A_159 = arith.constant 0 : i32
    %dma_start3A_160 = arith.constant 0 : i32
    %dma_start3A_161 = tpu.memref_slice %arg3[%dma_start3A_159, %dma_start3A_160] : memref<100000x128xf32, #tpu.memory_space<hbm>> -> memref<100000x128xf32, #tpu.memory_space<hbm>>
    tpu.enqueue_indirect_dma source(%dma_start3A_161 : memref<100000x128xf32, #tpu.memory_space<hbm>>) target(%dma_start3A_156 : memref<32x128xf32, #tpu.memory_space<vmem>>) offsets(%dma_start3A_158 : memref<32xi32, #tpu.memory_space<vmem>>) semaphore(%arg18 : memref<!tpu.dma_semaphore, #tpu.memory_space<semaphore_mem>>)
    %add3A_162 = arith.constant 32 : i32
    %add3A_163 = arith.addi %sub3A_21, %add3A_162 : i32
    %dma_start3A_164 = arith.constant 2 : i32
    %dma_start3A_165 = arith.constant 160 : i32
    %dma_start3A_166 = arith.constant 0 : i32
    %dma_start3A_167 = tpu.memref_slice %arg7[%dma_start3A_165, %dma_start3A_166] : memref<256x128xf32, #tpu.memory_space<vmem>> -> memref<32x128xf32, #tpu.memory_space<vmem>>
    %dma_start3A_168 = tpu.memref_slice %arg6[%dma_start3A_164, %add3A_163] : memref<4x128xi32, #tpu.memory_space<vmem>> -> memref<1x32xi32, #tpu.memory_space<vmem>>
    %dma_start3A_169 = tpu.memref_squeeze %dma_start3A_168 : memref<1x32xi32, #tpu.memory_space<vmem>> -> memref<32xi32, #tpu.memory_space<vmem>>
    %dma_start3A_170 = arith.constant 0 : i32
    %dma_start3A_171 = arith.constant 0 : i32
    %dma_start3A_172 = tpu.memref_slice %arg3[%dma_start3A_170, %dma_start3A_171] : memref<100000x128xf32, #tpu.memory_space<hbm>> -> memref<100000x128xf32, #tpu.memory_space<hbm>>
    tpu.enqueue_indirect_dma source(%dma_start3A_172 : memref<100000x128xf32, #tpu.memory_space<hbm>>) target(%dma_start3A_167 : memref<32x128xf32, #tpu.memory_space<vmem>>) offsets(%dma_start3A_169 : memref<32xi32, #tpu.memory_space<vmem>>) semaphore(%arg19 : memref<!tpu.dma_semaphore, #tpu.memory_space<semaphore_mem>>)
    %add3A_173 = arith.constant 32 : i32
    %add3A_174 = arith.addi %sub3A_21, %add3A_173 : i32
    %dma_start3A_175 = arith.constant 3 : i32
    %dma_start3A_176 = arith.constant 224 : i32
    %dma_start3A_177 = arith.constant 0 : i32
    %dma_start3A_178 = tpu.memref_slice %arg7[%dma_start3A_176, %dma_start3A_177] : memref<256x128xf32, #tpu.memory_space<vmem>> -> memref<32x128xf32, #tpu.memory_space<vmem>>
    %dma_start3A_179 = tpu.memref_slice %arg6[%dma_start3A_175, %add3A_174] : memref<4x128xi32, #tpu.memory_space<vmem>> -> memref<1x32xi32, #tpu.memory_space<vmem>>
    %dma_start3A_180 = tpu.memref_squeeze %dma_start3A_179 : memref<1x32xi32, #tpu.memory_space<vmem>> -> memref<32xi32, #tpu.memory_space<vmem>>
    %dma_start3A_181 = arith.constant 0 : i32
    %dma_start3A_182 = arith.constant 0 : i32
    %dma_start3A_183 = tpu.memref_slice %arg3[%dma_start3A_181, %dma_start3A_182] : memref<100000x128xf32, #tpu.memory_space<hbm>> -> memref<100000x128xf32, #tpu.memory_space<hbm>>
    tpu.enqueue_indirect_dma source(%dma_start3A_183 : memref<100000x128xf32, #tpu.memory_space<hbm>>) target(%dma_start3A_178 : memref<32x128xf32, #tpu.memory_space<vmem>>) offsets(%dma_start3A_180 : memref<32xi32, #tpu.memory_space<vmem>>) semaphore(%arg20 : memref<!tpu.dma_semaphore, #tpu.memory_space<semaphore_mem>>)
    %dma_wait3A_184 = arith.constant 0 : i32
    %dma_wait3A_185 = tpu.memref_slice %arg4[%mul3A_2, %dma_wait3A_184] : memref<2048x128xf32, #tpu.memory_space<hbm>> -> memref<64x128xf32, #tpu.memory_space<hbm>>
    %dma_wait3A_186 = arith.constant 0 : i32
    %dma_wait3A_187 = tpu.memref_slice %arg4[%mul3A_2, %dma_wait3A_186] : memref<2048x128xf32, #tpu.memory_space<hbm>> -> memref<64x128xf32, #tpu.memory_space<hbm>>
    tpu.wait_dma2 semaphore(%arg21 : memref<!tpu.dma_semaphore, #tpu.memory_space<semaphore_mem>>) src(%dma_wait3A_187 : memref<64x128xf32, #tpu.memory_space<hbm>>) dst(%arg8 : memref<64x128xf32, #tpu.memory_space<vmem>>)
    %dma_wait3A_188 = arith.constant 0 : i32
    %dma_wait3A_189 = arith.constant 0 : i32
    %dma_wait3A_190 = arith.constant 0 : i32
    %dma_wait3A_191 = tpu.memref_slice %arg7[%dma_wait3A_189, %dma_wait3A_190] : memref<256x128xf32, #tpu.memory_space<vmem>> -> memref<32x128xf32, #tpu.memory_space<vmem>>
    %dma_wait3A_192 = tpu.memref_slice %arg6[%dma_wait3A_188, %sub3A_21] : memref<4x128xi32, #tpu.memory_space<vmem>> -> memref<1x32xi32, #tpu.memory_space<vmem>>
    %dma_wait3A_193 = tpu.memref_squeeze %dma_wait3A_192 : memref<1x32xi32, #tpu.memory_space<vmem>> -> memref<32xi32, #tpu.memory_space<vmem>>
    %dma_wait3A_194 = arith.constant 0 : i32
    %dma_wait3A_195 = arith.constant 0 : i32
    %dma_wait3A_196 = tpu.memref_slice %arg3[%dma_wait3A_194, %dma_wait3A_195] : memref<100000x128xf32, #tpu.memory_space<hbm>> -> memref<100000x128xf32, #tpu.memory_space<hbm>>
    tpu.wait_indirect_dma semaphore(%arg13 : memref<!tpu.dma_semaphore, #tpu.memory_space<semaphore_mem>>) src(%dma_wait3A_196 : memref<100000x128xf32, #tpu.memory_space<hbm>>) dst(%dma_wait3A_191 : memref<32x128xf32, #tpu.memory_space<vmem>>)
    %dma_wait3A_197 = arith.constant 1 : i32
    %dma_wait3A_198 = arith.constant 64 : i32
    %dma_wait3A_199 = arith.constant 0 : i32
    %dma_wait3A_200 = tpu.memref_slice %arg7[%dma_wait3A_198, %dma_wait3A_199] : memref<256x128xf32, #tpu.memory_space<vmem>> -> memref<32x128xf32, #tpu.memory_space<vmem>>
    %dma_wait3A_201 = tpu.memref_slice %arg6[%dma_wait3A_197, %sub3A_21] : memref<4x128xi32, #tpu.memory_space<vmem>> -> memref<1x32xi32, #tpu.memory_space<vmem>>
    %dma_wait3A_202 = tpu.memref_squeeze %dma_wait3A_201 : memref<1x32xi32, #tpu.memory_space<vmem>> -> memref<32xi32, #tpu.memory_space<vmem>>
    %dma_wait3A_203 = arith.constant 0 : i32
    %dma_wait3A_204 = arith.constant 0 : i32
    %dma_wait3A_205 = tpu.memref_slice %arg3[%dma_wait3A_203, %dma_wait3A_204] : memref<100000x128xf32, #tpu.memory_space<hbm>> -> memref<100000x128xf32, #tpu.memory_space<hbm>>
    tpu.wait_indirect_dma semaphore(%arg14 : memref<!tpu.dma_semaphore, #tpu.memory_space<semaphore_mem>>) src(%dma_wait3A_205 : memref<100000x128xf32, #tpu.memory_space<hbm>>) dst(%dma_wait3A_200 : memref<32x128xf32, #tpu.memory_space<vmem>>)
    %dma_wait3A_206 = arith.constant 2 : i32
    %dma_wait3A_207 = arith.constant 128 : i32
    %dma_wait3A_208 = arith.constant 0 : i32
    %dma_wait3A_209 = tpu.memref_slice %arg7[%dma_wait3A_207, %dma_wait3A_208] : memref<256x128xf32, #tpu.memory_space<vmem>> -> memref<32x128xf32, #tpu.memory_space<vmem>>
    %dma_wait3A_210 = tpu.memref_slice %arg6[%dma_wait3A_206, %sub3A_21] : memref<4x128xi32, #tpu.memory_space<vmem>> -> memref<1x32xi32, #tpu.memory_space<vmem>>
    %dma_wait3A_211 = tpu.memref_squeeze %dma_wait3A_210 : memref<1x32xi32, #tpu.memory_space<vmem>> -> memref<32xi32, #tpu.memory_space<vmem>>
    %dma_wait3A_212 = arith.constant 0 : i32
    %dma_wait3A_213 = arith.constant 0 : i32
    %dma_wait3A_214 = tpu.memref_slice %arg3[%dma_wait3A_212, %dma_wait3A_213] : memref<100000x128xf32, #tpu.memory_space<hbm>> -> memref<100000x128xf32, #tpu.memory_space<hbm>>
    tpu.wait_indirect_dma semaphore(%arg15 : memref<!tpu.dma_semaphore, #tpu.memory_space<semaphore_mem>>) src(%dma_wait3A_214 : memref<100000x128xf32, #tpu.memory_space<hbm>>) dst(%dma_wait3A_209 : memref<32x128xf32, #tpu.memory_space<vmem>>)
    %dma_wait3A_215 = arith.constant 3 : i32
    %dma_wait3A_216 = arith.constant 192 : i32
    %dma_wait3A_217 = arith.constant 0 : i32
    %dma_wait3A_218 = tpu.memref_slice %arg7[%dma_wait3A_216, %dma_wait3A_217] : memref<256x128xf32, #tpu.memory_space<vmem>> -> memref<32x128xf32, #tpu.memory_space<vmem>>
    %dma_wait3A_219 = tpu.memref_slice %arg6[%dma_wait3A_215, %sub3A_21] : memref<4x128xi32, #tpu.memory_space<vmem>> -> memref<1x32xi32, #tpu.memory_space<vmem>>
    %dma_wait3A_220 = tpu.memref_squeeze %dma_wait3A_219 : memref<1x32xi32, #tpu.memory_space<vmem>> -> memref<32xi32, #tpu.memory_space<vmem>>
    %dma_wait3A_221 = arith.constant 0 : i32
    %dma_wait3A_222 = arith.constant 0 : i32
    %dma_wait3A_223 = tpu.memref_slice %arg3[%dma_wait3A_221, %dma_wait3A_222] : memref<100000x128xf32, #tpu.memory_space<hbm>> -> memref<100000x128xf32, #tpu.memory_space<hbm>>
    tpu.wait_indirect_dma semaphore(%arg16 : memref<!tpu.dma_semaphore, #tpu.memory_space<semaphore_mem>>) src(%dma_wait3A_223 : memref<100000x128xf32, #tpu.memory_space<hbm>>) dst(%dma_wait3A_218 : memref<32x128xf32, #tpu.memory_space<vmem>>)
    %scan3A = arith.constant 0 : i32
    %scan3A_224 = arith.constant 0 : i32
    %scan3A_225 = arith.constant 32 : i32
    %scan3A_226 = arith.addi %scan3A_224, %scan3A_225 : i32
    %scan3A_227 = arith.constant 1 : i32
    scf.for %scan3A_463 = %scan3A_224 to %scan3A_226 step %scan3A_227  : i32 {
      %add3A_464 = arith.constant 0 : i32
      %add3A_465 = arith.addi %add3A_464, %scan3A_463 : i32
      %get3A = arith.index_cast %add3A_465 : i32 to index
      %get3A_466 = arith.constant 0 : index
      %get3A_467 = tpu.vector_load %arg8[%get3A, %get3A_466] {strides = array<i32>} : memref<64x128xf32, #tpu.memory_space<vmem>>, vector<1x16xf32>,
      %get3A_468 = vector.shape_cast %get3A_467 : vector<1x16xf32> to vector<16xf32>
      %add3A_469 = arith.constant 0 : i32
      %add3A_470 = arith.addi %add3A_469, %add3A_465 : i32
      %swap3A = arith.index_cast %add3A_470 : i32 to index
      %swap3A_471 = arith.constant 0 : index
      %swap3A_472 = tpu.vector_load %arg7[%swap3A, %swap3A_471] {strides = array<i32>} : memref<256x128xf32, #tpu.memory_space<vmem>>, vector<1x16xf32>,
      %swap3A_473 = vector.shape_cast %swap3A_472 : vector<1x16xf32> to vector<16xf32>
      %swap3A_474 = vector.shape_cast %get3A_468 : vector<16xf32> to vector<1x16xf32>
      tpu.vector_store %arg7[%swap3A, %swap3A_471], %swap3A_474 {add = true, strides = array<i32>} : memref<256x128xf32, #tpu.memory_space<vmem>>, vector<1x16xf32>,
      %add3A_475 = arith.constant 64 : i32
      %add3A_476 = arith.addi %add3A_475, %add3A_465 : i32
      %swap3A_477 = arith.index_cast %add3A_476 : i32 to index
      %swap3A_478 = arith.constant 0 : index
      %swap3A_479 = tpu.vector_load %arg7[%swap3A_477, %swap3A_478] {strides = array<i32>} : memref<256x128xf32, #tpu.memory_space<vmem>>, vector<1x16xf32>,
      %swap3A_480 = vector.shape_cast %swap3A_479 : vector<1x16xf32> to vector<16xf32>
      %swap3A_481 = vector.shape_cast %get3A_468 : vector<16xf32> to vector<1x16xf32>
      tpu.vector_store %arg7[%swap3A_477, %swap3A_478], %swap3A_481 {add = true, strides = array<i32>} : memref<256x128xf32, #tpu.memory_space<vmem>>, vector<1x16xf32>,
      %add3A_482 = arith.constant 128 : i32
      %add3A_483 = arith.addi %add3A_482, %add3A_465 : i32
      %swap3A_484 = arith.index_cast %add3A_483 : i32 to index
      %swap3A_485 = arith.constant 0 : index
      %swap3A_486 = tpu.vector_load %arg7[%swap3A_484, %swap3A_485] {strides = array<i32>} : memref<256x128xf32, #tpu.memory_space<vmem>>, vector<1x16xf32>,
      %swap3A_487 = vector.shape_cast %swap3A_486 : vector<1x16xf32> to vector<16xf32>
      %swap3A_488 = vector.shape_cast %get3A_468 : vector<16xf32> to vector<1x16xf32>
      tpu.vector_store %arg7[%swap3A_484, %swap3A_485], %swap3A_488 {add = true, strides = array<i32>} : memref<256x128xf32, #tpu.memory_space<vmem>>, vector<1x16xf32>,
      %add3A_489 = arith.constant 192 : i32
      %add3A_490 = arith.addi %add3A_489, %add3A_465 : i32
      %swap3A_491 = arith.index_cast %add3A_490 : i32 to index
      %swap3A_492 = arith.constant 0 : index
      %swap3A_493 = tpu.vector_load %arg7[%swap3A_491, %swap3A_492] {strides = array<i32>} : memref<256x128xf32, #tpu.memory_space<vmem>>, vector<1x16xf32>,
      %swap3A_494 = vector.shape_cast %swap3A_493 : vector<1x16xf32> to vector<16xf32>
      %swap3A_495 = vector.shape_cast %get3A_468 : vector<16xf32> to vector<1x16xf32>
      tpu.vector_store %arg7[%swap3A_491, %swap3A_492], %swap3A_495 {add = true, strides = array<i32>} : memref<256x128xf32, #tpu.memory_space<vmem>>, vector<1x16xf32>,
      %get3A_496 = arith.index_cast %add3A_465 : i32 to index
      %get3A_497 = arith.constant 16 : index
      %get3A_498 = tpu.vector_load %arg8[%get3A_496, %get3A_497] {strides = array<i32>} : memref<64x128xf32, #tpu.memory_space<vmem>>, vector<1x16xf32>,
      %get3A_499 = vector.shape_cast %get3A_498 : vector<1x16xf32> to vector<16xf32>
      %add3A_500 = arith.constant 0 : i32
      %add3A_501 = arith.addi %add3A_500, %add3A_465 : i32
      %swap3A_502 = arith.index_cast %add3A_501 : i32 to index
      %swap3A_503 = arith.constant 16 : index
      %swap3A_504 = tpu.vector_load %arg7[%swap3A_502, %swap3A_503] {strides = array<i32>} : memref<256x128xf32, #tpu.memory_space<vmem>>, vector<1x16xf32>,
      %swap3A_505 = vector.shape_cast %swap3A_504 : vector<1x16xf32> to vector<16xf32>
      %swap3A_506 = vector.shape_cast %get3A_499 : vector<16xf32> to vector<1x16xf32>
      tpu.vector_store %arg7[%swap3A_502, %swap3A_503], %swap3A_506 {add = true, strides = array<i32>} : memref<256x128xf32, #tpu.memory_space<vmem>>, vector<1x16xf32>,
      %add3A_507 = arith.constant 64 : i32
      %add3A_508 = arith.addi %add3A_507, %add3A_465 : i32
      %swap3A_509 = arith.index_cast %add3A_508 : i32 to index
      %swap3A_510 = arith.constant 16 : index
      %swap3A_511 = tpu.vector_load %arg7[%swap3A_509, %swap3A_510] {strides = array<i32>} : memref<256x128xf32, #tpu.memory_space<vmem>>, vector<1x16xf32>,
      %swap3A_512 = vector.shape_cast %swap3A_511 : vector<1x16xf32> to vector<16xf32>
      %swap3A_513 = vector.shape_cast %get3A_499 : vector<16xf32> to vector<1x16xf32>
      tpu.vector_store %arg7[%swap3A_509, %swap3A_510], %swap3A_513 {add = true, strides = array<i32>} : memref<256x128xf32, #tpu.memory_space<vmem>>, vector<1x16xf32>,
      %add3A_514 = arith.constant 128 : i32
      %add3A_515 = arith.addi %add3A_514, %add3A_465 : i32
      %swap3A_516 = arith.index_cast %add3A_515 : i32 to index
      %swap3A_517 = arith.constant 16 : index
      %swap3A_518 = tpu.vector_load %arg7[%swap3A_516, %swap3A_517] {strides = array<i32>} : memref<256x128xf32, #tpu.memory_space<vmem>>, vector<1x16xf32>,
      %swap3A_519 = vector.shape_cast %swap3A_518 : vector<1x16xf32> to vector<16xf32>
      %swap3A_520 = vector.shape_cast %get3A_499 : vector<16xf32> to vector<1x16xf32>
      tpu.vector_store %arg7[%swap3A_516, %swap3A_517], %swap3A_520 {add = true, strides = array<i32>} : memref<256x128xf32, #tpu.memory_space<vmem>>, vector<1x16xf32>,
      %add3A_521 = arith.constant 192 : i32
      %add3A_522 = arith.addi %add3A_521, %add3A_465 : i32
      %swap3A_523 = arith.index_cast %add3A_522 : i32 to index
      %swap3A_524 = arith.constant 16 : index
      %swap3A_525 = tpu.vector_load %arg7[%swap3A_523, %swap3A_524] {strides = array<i32>} : memref<256x128xf32, #tpu.memory_space<vmem>>, vector<1x16xf32>,
      %swap3A_526 = vector.shape_cast %swap3A_525 : vector<1x16xf32> to vector<16xf32>
      %swap3A_527 = vector.shape_cast %get3A_499 : vector<16xf32> to vector<1x16xf32>
      tpu.vector_store %arg7[%swap3A_523, %swap3A_524], %swap3A_527 {add = true, strides = array<i32>} : memref<256x128xf32, #tpu.memory_space<vmem>>, vector<1x16xf32>,
      %get3A_528 = arith.index_cast %add3A_465 : i32 to index
      %get3A_529 = arith.constant 32 : index
      %get3A_530 = tpu.vector_load %arg8[%get3A_528, %get3A_529] {strides = array<i32>} : memref<64x128xf32, #tpu.memory_space<vmem>>, vector<1x16xf32>,
      %get3A_531 = vector.shape_cast %get3A_530 : vector<1x16xf32> to vector<16xf32>
      %add3A_532 = arith.constant 0 : i32
      %add3A_533 = arith.addi %add3A_532, %add3A_465 : i32
      %swap3A_534 = arith.index_cast %add3A_533 : i32 to index
      %swap3A_535 = arith.constant 32 : index
      %swap3A_536 = tpu.vector_load %arg7[%swap3A_534, %swap3A_535] {strides = array<i32>} : memref<256x128xf32, #tpu.memory_space<vmem>>, vector<1x16xf32>,
      %swap3A_537 = vector.shape_cast %swap3A_536 : vector<1x16xf32> to vector<16xf32>
      %swap3A_538 = vector.shape_cast %get3A_531 : vector<16xf32> to vector<1x16xf32>
      tpu.vector_store %arg7[%swap3A_534, %swap3A_535], %swap3A_538 {add = true, strides = array<i32>} : memref<256x128xf32, #tpu.memory_space<vmem>>, vector<1x16xf32>,
      %add3A_539 = arith.constant 64 : i32
      %add3A_540 = arith.addi %add3A_539, %add3A_465 : i32
      %swap3A_541 = arith.index_cast %add3A_540 : i32 to index
      %swap3A_542 = arith.constant 32 : index
      %swap3A_543 = tpu.vector_load %arg7[%swap3A_541, %swap3A_542] {strides = array<i32>} : memref<256x128xf32, #tpu.memory_space<vmem>>, vector<1x16xf32>,
      %swap3A_544 = vector.shape_cast %swap3A_543 : vector<1x16xf32> to vector<16xf32>
      %swap3A_545 = vector.shape_cast %get3A_531 : vector<16xf32> to vector<1x16xf32>
      tpu.vector_store %arg7[%swap3A_541, %swap3A_542], %swap3A_545 {add = true, strides = array<i32>} : memref<256x128xf32, #tpu.memory_space<vmem>>, vector<1x16xf32>,
      %add3A_546 = arith.constant 128 : i32
      %add3A_547 = arith.addi %add3A_546, %add3A_465 : i32
      %swap3A_548 = arith.index_cast %add3A_547 : i32 to index
      %swap3A_549 = arith.constant 32 : index
      %swap3A_550 = tpu.vector_load %arg7[%swap3A_548, %swap3A_549] {strides = array<i32>} : memref<256x128xf32, #tpu.memory_space<vmem>>, vector<1x16xf32>,
      %swap3A_551 = vector.shape_cast %swap3A_550 : vector<1x16xf32> to vector<16xf32>
      %swap3A_552 = vector.shape_cast %get3A_531 : vector<16xf32> to vector<1x16xf32>
      tpu.vector_store %arg7[%swap3A_548, %swap3A_549], %swap3A_552 {add = true, strides = array<i32>} : memref<256x128xf32, #tpu.memory_space<vmem>>, vector<1x16xf32>,
      %add3A_553 = arith.constant 192 : i32
      %add3A_554 = arith.addi %add3A_553, %add3A_465 : i32
      %swap3A_555 = arith.index_cast %add3A_554 : i32 to index
      %swap3A_556 = arith.constant 32 : index
      %swap3A_557 = tpu.vector_load %arg7[%swap3A_555, %swap3A_556] {strides = array<i32>} : memref<256x128xf32, #tpu.memory_space<vmem>>, vector<1x16xf32>,
      %swap3A_558 = vector.shape_cast %swap3A_557 : vector<1x16xf32> to vector<16xf32>
      %swap3A_559 = vector.shape_cast %get3A_531 : vector<16xf32> to vector<1x16xf32>
      tpu.vector_store %arg7[%swap3A_555, %swap3A_556], %swap3A_559 {add = true, strides = array<i32>} : memref<256x128xf32, #tpu.memory_space<vmem>>, vector<1x16xf32>,
      %get3A_560 = arith.index_cast %add3A_465 : i32 to index
      %get3A_561 = arith.constant 48 : index
      %get3A_562 = tpu.vector_load %arg8[%get3A_560, %get3A_561] {strides = array<i32>} : memref<64x128xf32, #tpu.memory_space<vmem>>, vector<1x16xf32>,
      %get3A_563 = vector.shape_cast %get3A_562 : vector<1x16xf32> to vector<16xf32>
      %add3A_564 = arith.constant 0 : i32
      %add3A_565 = arith.addi %add3A_564, %add3A_465 : i32
      %swap3A_566 = arith.index_cast %add3A_565 : i32 to index
      %swap3A_567 = arith.constant 48 : index
      %swap3A_568 = tpu.vector_load %arg7[%swap3A_566, %swap3A_567] {strides = array<i32>} : memref<256x128xf32, #tpu.memory_space<vmem>>, vector<1x16xf32>,
      %swap3A_569 = vector.shape_cast %swap3A_568 : vector<1x16xf32> to vector<16xf32>
      %swap3A_570 = vector.shape_cast %get3A_563 : vector<16xf32> to vector<1x16xf32>
      tpu.vector_store %arg7[%swap3A_566, %swap3A_567], %swap3A_570 {add = true, strides = array<i32>} : memref<256x128xf32, #tpu.memory_space<vmem>>, vector<1x16xf32>,
      %add3A_571 = arith.constant 64 : i32
      %add3A_572 = arith.addi %add3A_571, %add3A_465 : i32
      %swap3A_573 = arith.index_cast %add3A_572 : i32 to index
      %swap3A_574 = arith.constant 48 : index
      %swap3A_575 = tpu.vector_load %arg7[%swap3A_573, %swap3A_574] {strides = array<i32>} : memref<256x128xf32, #tpu.memory_space<vmem>>, vector<1x16xf32>,
      %swap3A_576 = vector.shape_cast %swap3A_575 : vector<1x16xf32> to vector<16xf32>
      %swap3A_577 = vector.shape_cast %get3A_563 : vector<16xf32> to vector<1x16xf32>
      tpu.vector_store %arg7[%swap3A_573, %swap3A_574], %swap3A_577 {add = true, strides = array<i32>} : memref<256x128xf32, #tpu.memory_space<vmem>>, vector<1x16xf32>,
      %add3A_578 = arith.constant 128 : i32
      %add3A_579 = arith.addi %add3A_578, %add3A_465 : i32
      %swap3A_580 = arith.index_cast %add3A_579 : i32 to index
      %swap3A_581 = arith.constant 48 : index
      %swap3A_582 = tpu.vector_load %arg7[%swap3A_580, %swap3A_581] {strides = array<i32>} : memref<256x128xf32, #tpu.memory_space<vmem>>, vector<1x16xf32>,
      %swap3A_583 = vector.shape_cast %swap3A_582 : vector<1x16xf32> to vector<16xf32>
      %swap3A_584 = vector.shape_cast %get3A_563 : vector<16xf32> to vector<1x16xf32>
      tpu.vector_store %arg7[%swap3A_580, %swap3A_581], %swap3A_584 {add = true, strides = array<i32>} : memref<256x128xf32, #tpu.memory_space<vmem>>, vector<1x16xf32>,
      %add3A_585 = arith.constant 192 : i32
      %add3A_586 = arith.addi %add3A_585, %add3A_465 : i32
      %swap3A_587 = arith.index_cast %add3A_586 : i32 to index
      %swap3A_588 = arith.constant 48 : index
      %swap3A_589 = tpu.vector_load %arg7[%swap3A_587, %swap3A_588] {strides = array<i32>} : memref<256x128xf32, #tpu.memory_space<vmem>>, vector<1x16xf32>,
      %swap3A_590 = vector.shape_cast %swap3A_589 : vector<1x16xf32> to vector<16xf32>
      %swap3A_591 = vector.shape_cast %get3A_563 : vector<16xf32> to vector<1x16xf32>
      tpu.vector_store %arg7[%swap3A_587, %swap3A_588], %swap3A_591 {add = true, strides = array<i32>} : memref<256x128xf32, #tpu.memory_space<vmem>>, vector<1x16xf32>,
      %get3A_592 = arith.index_cast %add3A_465 : i32 to index
      %get3A_593 = arith.constant 64 : index
      %get3A_594 = tpu.vector_load %arg8[%get3A_592, %get3A_593] {strides = array<i32>} : memref<64x128xf32, #tpu.memory_space<vmem>>, vector<1x16xf32>,
      %get3A_595 = vector.shape_cast %get3A_594 : vector<1x16xf32> to vector<16xf32>
      %add3A_596 = arith.constant 0 : i32
      %add3A_597 = arith.addi %add3A_596, %add3A_465 : i32
      %swap3A_598 = arith.index_cast %add3A_597 : i32 to index
      %swap3A_599 = arith.constant 64 : index
      %swap3A_600 = tpu.vector_load %arg7[%swap3A_598, %swap3A_599] {strides = array<i32>} : memref<256x128xf32, #tpu.memory_space<vmem>>, vector<1x16xf32>,
      %swap3A_601 = vector.shape_cast %swap3A_600 : vector<1x16xf32> to vector<16xf32>
      %swap3A_602 = vector.shape_cast %get3A_595 : vector<16xf32> to vector<1x16xf32>
      tpu.vector_store %arg7[%swap3A_598, %swap3A_599], %swap3A_602 {add = true, strides = array<i32>} : memref<256x128xf32, #tpu.memory_space<vmem>>, vector<1x16xf32>,
      %add3A_603 = arith.constant 64 : i32
      %add3A_604 = arith.addi %add3A_603, %add3A_465 : i32
      %swap3A_605 = arith.index_cast %add3A_604 : i32 to index
      %swap3A_606 = arith.constant 64 : index
      %swap3A_607 = tpu.vector_load %arg7[%swap3A_605, %swap3A_606] {strides = array<i32>} : memref<256x128xf32, #tpu.memory_space<vmem>>, vector<1x16xf32>,
      %swap3A_608 = vector.shape_cast %swap3A_607 : vector<1x16xf32> to vector<16xf32>
      %swap3A_609 = vector.shape_cast %get3A_595 : vector<16xf32> to vector<1x16xf32>
      tpu.vector_store %arg7[%swap3A_605, %swap3A_606], %swap3A_609 {add = true, strides = array<i32>} : memref<256x128xf32, #tpu.memory_space<vmem>>, vector<1x16xf32>,
      %add3A_610 = arith.constant 128 : i32
      %add3A_611 = arith.addi %add3A_610, %add3A_465 : i32
      %swap3A_612 = arith.index_cast %add3A_611 : i32 to index
      %swap3A_613 = arith.constant 64 : index
      %swap3A_614 = tpu.vector_load %arg7[%swap3A_612, %swap3A_613] {strides = array<i32>} : memref<256x128xf32, #tpu.memory_space<vmem>>, vector<1x16xf32>,
      %swap3A_615 = vector.shape_cast %swap3A_614 : vector<1x16xf32> to vector<16xf32>
      %swap3A_616 = vector.shape_cast %get3A_595 : vector<16xf32> to vector<1x16xf32>
      tpu.vector_store %arg7[%swap3A_612, %swap3A_613], %swap3A_616 {add = true, strides = array<i32>} : memref<256x128xf32, #tpu.memory_space<vmem>>, vector<1x16xf32>,
      %add3A_617 = arith.constant 192 : i32
      %add3A_618 = arith.addi %add3A_617, %add3A_465 : i32
      %swap3A_619 = arith.index_cast %add3A_618 : i32 to index
      %swap3A_620 = arith.constant 64 : index
      %swap3A_621 = tpu.vector_load %arg7[%swap3A_619, %swap3A_620] {strides = array<i32>} : memref<256x128xf32, #tpu.memory_space<vmem>>, vector<1x16xf32>,
      %swap3A_622 = vector.shape_cast %swap3A_621 : vector<1x16xf32> to vector<16xf32>
      %swap3A_623 = vector.shape_cast %get3A_595 : vector<16xf32> to vector<1x16xf32>
      tpu.vector_store %arg7[%swap3A_619, %swap3A_620], %swap3A_623 {add = true, strides = array<i32>} : memref<256x128xf32, #tpu.memory_space<vmem>>, vector<1x16xf32>,
      %get3A_624 = arith.index_cast %add3A_465 : i32 to index
      %get3A_625 = arith.constant 80 : index
      %get3A_626 = tpu.vector_load %arg8[%get3A_624, %get3A_625] {strides = array<i32>} : memref<64x128xf32, #tpu.memory_space<vmem>>, vector<1x16xf32>,
      %get3A_627 = vector.shape_cast %get3A_626 : vector<1x16xf32> to vector<16xf32>
      %add3A_628 = arith.constant 0 : i32
      %add3A_629 = arith.addi %add3A_628, %add3A_465 : i32
      %swap3A_630 = arith.index_cast %add3A_629 : i32 to index
      %swap3A_631 = arith.constant 80 : index
      %swap3A_632 = tpu.vector_load %arg7[%swap3A_630, %swap3A_631] {strides = array<i32>} : memref<256x128xf32, #tpu.memory_space<vmem>>, vector<1x16xf32>,
      %swap3A_633 = vector.shape_cast %swap3A_632 : vector<1x16xf32> to vector<16xf32>
      %swap3A_634 = vector.shape_cast %get3A_627 : vector<16xf32> to vector<1x16xf32>
      tpu.vector_store %arg7[%swap3A_630, %swap3A_631], %swap3A_634 {add = true, strides = array<i32>} : memref<256x128xf32, #tpu.memory_space<vmem>>, vector<1x16xf32>,
      %add3A_635 = arith.constant 64 : i32
      %add3A_636 = arith.addi %add3A_635, %add3A_465 : i32
      %swap3A_637 = arith.index_cast %add3A_636 : i32 to index
      %swap3A_638 = arith.constant 80 : index
      %swap3A_639 = tpu.vector_load %arg7[%swap3A_637, %swap3A_638] {strides = array<i32>} : memref<256x128xf32, #tpu.memory_space<vmem>>, vector<1x16xf32>,
      %swap3A_640 = vector.shape_cast %swap3A_639 : vector<1x16xf32> to vector<16xf32>
      %swap3A_641 = vector.shape_cast %get3A_627 : vector<16xf32> to vector<1x16xf32>
      tpu.vector_store %arg7[%swap3A_637, %swap3A_638], %swap3A_641 {add = true, strides = array<i32>} : memref<256x128xf32, #tpu.memory_space<vmem>>, vector<1x16xf32>,
      %add3A_642 = arith.constant 128 : i32
      %add3A_643 = arith.addi %add3A_642, %add3A_465 : i32
      %swap3A_644 = arith.index_cast %add3A_643 : i32 to index
      %swap3A_645 = arith.constant 80 : index
      %swap3A_646 = tpu.vector_load %arg7[%swap3A_644, %swap3A_645] {strides = array<i32>} : memref<256x128xf32, #tpu.memory_space<vmem>>, vector<1x16xf32>,
      %swap3A_647 = vector.shape_cast %swap3A_646 : vector<1x16xf32> to vector<16xf32>
      %swap3A_648 = vector.shape_cast %get3A_627 : vector<16xf32> to vector<1x16xf32>
      tpu.vector_store %arg7[%swap3A_644, %swap3A_645], %swap3A_648 {add = true, strides = array<i32>} : memref<256x128xf32, #tpu.memory_space<vmem>>, vector<1x16xf32>,
      %add3A_649 = arith.constant 192 : i32
      %add3A_650 = arith.addi %add3A_649, %add3A_465 : i32
      %swap3A_651 = arith.index_cast %add3A_650 : i32 to index
      %swap3A_652 = arith.constant 80 : index
      %swap3A_653 = tpu.vector_load %arg7[%swap3A_651, %swap3A_652] {strides = array<i32>} : memref<256x128xf32, #tpu.memory_space<vmem>>, vector<1x16xf32>,
      %swap3A_654 = vector.shape_cast %swap3A_653 : vector<1x16xf32> to vector<16xf32>
      %swap3A_655 = vector.shape_cast %get3A_627 : vector<16xf32> to vector<1x16xf32>
      tpu.vector_store %arg7[%swap3A_651, %swap3A_652], %swap3A_655 {add = true, strides = array<i32>} : memref<256x128xf32, #tpu.memory_space<vmem>>, vector<1x16xf32>,
      %get3A_656 = arith.index_cast %add3A_465 : i32 to index
      %get3A_657 = arith.constant 96 : index
      %get3A_658 = tpu.vector_load %arg8[%get3A_656, %get3A_657] {strides = array<i32>} : memref<64x128xf32, #tpu.memory_space<vmem>>, vector<1x16xf32>,
      %get3A_659 = vector.shape_cast %get3A_658 : vector<1x16xf32> to vector<16xf32>
      %add3A_660 = arith.constant 0 : i32
      %add3A_661 = arith.addi %add3A_660, %add3A_465 : i32
      %swap3A_662 = arith.index_cast %add3A_661 : i32 to index
      %swap3A_663 = arith.constant 96 : index
      %swap3A_664 = tpu.vector_load %arg7[%swap3A_662, %swap3A_663] {strides = array<i32>} : memref<256x128xf32, #tpu.memory_space<vmem>>, vector<1x16xf32>,
      %swap3A_665 = vector.shape_cast %swap3A_664 : vector<1x16xf32> to vector<16xf32>
      %swap3A_666 = vector.shape_cast %get3A_659 : vector<16xf32> to vector<1x16xf32>
      tpu.vector_store %arg7[%swap3A_662, %swap3A_663], %swap3A_666 {add = true, strides = array<i32>} : memref<256x128xf32, #tpu.memory_space<vmem>>, vector<1x16xf32>,
      %add3A_667 = arith.constant 64 : i32
      %add3A_668 = arith.addi %add3A_667, %add3A_465 : i32
      %swap3A_669 = arith.index_cast %add3A_668 : i32 to index
      %swap3A_670 = arith.constant 96 : index
      %swap3A_671 = tpu.vector_load %arg7[%swap3A_669, %swap3A_670] {strides = array<i32>} : memref<256x128xf32, #tpu.memory_space<vmem>>, vector<1x16xf32>,
      %swap3A_672 = vector.shape_cast %swap3A_671 : vector<1x16xf32> to vector<16xf32>
      %swap3A_673 = vector.shape_cast %get3A_659 : vector<16xf32> to vector<1x16xf32>
      tpu.vector_store %arg7[%swap3A_669, %swap3A_670], %swap3A_673 {add = true, strides = array<i32>} : memref<256x128xf32, #tpu.memory_space<vmem>>, vector<1x16xf32>,
      %add3A_674 = arith.constant 128 : i32
      %add3A_675 = arith.addi %add3A_674, %add3A_465 : i32
      %swap3A_676 = arith.index_cast %add3A_675 : i32 to index
      %swap3A_677 = arith.constant 96 : index
      %swap3A_678 = tpu.vector_load %arg7[%swap3A_676, %swap3A_677] {strides = array<i32>} : memref<256x128xf32, #tpu.memory_space<vmem>>, vector<1x16xf32>,
      %swap3A_679 = vector.shape_cast %swap3A_678 : vector<1x16xf32> to vector<16xf32>
      %swap3A_680 = vector.shape_cast %get3A_659 : vector<16xf32> to vector<1x16xf32>
      tpu.vector_store %arg7[%swap3A_676, %swap3A_677], %swap3A_680 {add = true, strides = array<i32>} : memref<256x128xf32, #tpu.memory_space<vmem>>, vector<1x16xf32>,
      %add3A_681 = arith.constant 192 : i32
      %add3A_682 = arith.addi %add3A_681, %add3A_465 : i32
      %swap3A_683 = arith.index_cast %add3A_682 : i32 to index
      %swap3A_684 = arith.constant 96 : index
      %swap3A_685 = tpu.vector_load %arg7[%swap3A_683, %swap3A_684] {strides = array<i32>} : memref<256x128xf32, #tpu.memory_space<vmem>>, vector<1x16xf32>,
      %swap3A_686 = vector.shape_cast %swap3A_685 : vector<1x16xf32> to vector<16xf32>
      %swap3A_687 = vector.shape_cast %get3A_659 : vector<16xf32> to vector<1x16xf32>
      tpu.vector_store %arg7[%swap3A_683, %swap3A_684], %swap3A_687 {add = true, strides = array<i32>} : memref<256x128xf32, #tpu.memory_space<vmem>>, vector<1x16xf32>,
      %get3A_688 = arith.index_cast %add3A_465 : i32 to index
      %get3A_689 = arith.constant 112 : index
      %get3A_690 = tpu.vector_load %arg8[%get3A_688, %get3A_689] {strides = array<i32>} : memref<64x128xf32, #tpu.memory_space<vmem>>, vector<1x16xf32>,
      %get3A_691 = vector.shape_cast %get3A_690 : vector<1x16xf32> to vector<16xf32>
      %add3A_692 = arith.constant 0 : i32
      %add3A_693 = arith.addi %add3A_692, %add3A_465 : i32
      %swap3A_694 = arith.index_cast %add3A_693 : i32 to index
      %swap3A_695 = arith.constant 112 : index
      %swap3A_696 = tpu.vector_load %arg7[%swap3A_694, %swap3A_695] {strides = array<i32>} : memref<256x128xf32, #tpu.memory_space<vmem>>, vector<1x16xf32>,
      %swap3A_697 = vector.shape_cast %swap3A_696 : vector<1x16xf32> to vector<16xf32>
      %swap3A_698 = vector.shape_cast %get3A_691 : vector<16xf32> to vector<1x16xf32>
      tpu.vector_store %arg7[%swap3A_694, %swap3A_695], %swap3A_698 {add = true, strides = array<i32>} : memref<256x128xf32, #tpu.memory_space<vmem>>, vector<1x16xf32>,
      %add3A_699 = arith.constant 64 : i32
      %add3A_700 = arith.addi %add3A_699, %add3A_465 : i32
      %swap3A_701 = arith.index_cast %add3A_700 : i32 to index
      %swap3A_702 = arith.constant 112 : index
      %swap3A_703 = tpu.vector_load %arg7[%swap3A_701, %swap3A_702] {strides = array<i32>} : memref<256x128xf32, #tpu.memory_space<vmem>>, vector<1x16xf32>,
      %swap3A_704 = vector.shape_cast %swap3A_703 : vector<1x16xf32> to vector<16xf32>
      %swap3A_705 = vector.shape_cast %get3A_691 : vector<16xf32> to vector<1x16xf32>
      tpu.vector_store %arg7[%swap3A_701, %swap3A_702], %swap3A_705 {add = true, strides = array<i32>} : memref<256x128xf32, #tpu.memory_space<vmem>>, vector<1x16xf32>,
      %add3A_706 = arith.constant 128 : i32
      %add3A_707 = arith.addi %add3A_706, %add3A_465 : i32
      %swap3A_708 = arith.index_cast %add3A_707 : i32 to index
      %swap3A_709 = arith.constant 112 : index
      %swap3A_710 = tpu.vector_load %arg7[%swap3A_708, %swap3A_709] {strides = array<i32>} : memref<256x128xf32, #tpu.memory_space<vmem>>, vector<1x16xf32>,
      %swap3A_711 = vector.shape_cast %swap3A_710 : vector<1x16xf32> to vector<16xf32>
      %swap3A_712 = vector.shape_cast %get3A_691 : vector<16xf32> to vector<1x16xf32>
      tpu.vector_store %arg7[%swap3A_708, %swap3A_709], %swap3A_712 {add = true, strides = array<i32>} : memref<256x128xf32, #tpu.memory_space<vmem>>, vector<1x16xf32>,
      %add3A_713 = arith.constant 192 : i32
      %add3A_714 = arith.addi %add3A_713, %add3A_465 : i32
      %swap3A_715 = arith.index_cast %add3A_714 : i32 to index
      %swap3A_716 = arith.constant 112 : index
      %swap3A_717 = tpu.vector_load %arg7[%swap3A_715, %swap3A_716] {strides = array<i32>} : memref<256x128xf32, #tpu.memory_space<vmem>>, vector<1x16xf32>,
      %swap3A_718 = vector.shape_cast %swap3A_717 : vector<1x16xf32> to vector<16xf32>
      %swap3A_719 = vector.shape_cast %get3A_691 : vector<16xf32> to vector<1x16xf32>
      tpu.vector_store %arg7[%swap3A_715, %swap3A_716], %swap3A_719 {add = true, strides = array<i32>} : memref<256x128xf32, #tpu.memory_space<vmem>>, vector<1x16xf32>,
    }
    %scan3A_228 = arith.constant 32 : i32
    %add3A_229 = arith.constant 0 : i32
    %add3A_230 = arith.addi %add3A_229, %mul3A_2 : i32
    %add3A_231 = arith.constant 0 : i32
    %add3A_232 = arith.addi %add3A_230, %add3A_231 : i32
    %dma_start3A_233 = arith.constant 0 : i32
    %dma_start3A_234 = arith.constant 0 : i32
    %dma_start3A_235 = tpu.memref_slice %arg7[%dma_start3A_233, %dma_start3A_234] : memref<256x128xf32, #tpu.memory_space<vmem>> -> memref<32x128xf32, #tpu.memory_space<vmem>>
    %dma_start3A_236 = arith.constant 0 : i32
    %dma_start3A_237 = tpu.memref_slice %arg5[%add3A_232, %dma_start3A_236] : memref<8192x128xf32, #tpu.memory_space<hbm>> -> memref<32x128xf32, #tpu.memory_space<hbm>>
    %dma_start3A_238 = arith.constant 0 : i32
    %dma_start3A_239 = tpu.memref_slice %arg5[%add3A_232, %dma_start3A_238] : memref<8192x128xf32, #tpu.memory_space<hbm>> -> memref<32x128xf32, #tpu.memory_space<hbm>>
    %dma_start3A_240 = arith.constant 0 : i32
    %dma_start3A_241 = arith.constant 0 : i32
    %dma_start3A_242 = tpu.memref_slice %arg7[%dma_start3A_240, %dma_start3A_241] : memref<256x128xf32, #tpu.memory_space<vmem>> -> memref<32x128xf32, #tpu.memory_space<vmem>>
    tpu.enqueue_dma source(%dma_start3A_242 : memref<32x128xf32, #tpu.memory_space<vmem>>) target(%dma_start3A_239 : memref<32x128xf32, #tpu.memory_space<hbm>>) target_semaphore(%arg22 : memref<!tpu.dma_semaphore, #tpu.memory_space<semaphore_mem>>)
    %add3A_243 = arith.constant 2048 : i32
    %add3A_244 = arith.addi %add3A_243, %mul3A_2 : i32
    %add3A_245 = arith.constant 0 : i32
    %add3A_246 = arith.addi %add3A_244, %add3A_245 : i32
    %dma_start3A_247 = arith.constant 64 : i32
    %dma_start3A_248 = arith.constant 0 : i32
    %dma_start3A_249 = tpu.memref_slice %arg7[%dma_start3A_247, %dma_start3A_248] : memref<256x128xf32, #tpu.memory_space<vmem>> -> memref<32x128xf32, #tpu.memory_space<vmem>>
    %dma_start3A_250 = arith.constant 0 : i32
    %dma_start3A_251 = tpu.memref_slice %arg5[%add3A_246, %dma_start3A_250] : memref<8192x128xf32, #tpu.memory_space<hbm>> -> memref<32x128xf32, #tpu.memory_space<hbm>>
    %dma_start3A_252 = arith.constant 0 : i32
    %dma_start3A_253 = tpu.memref_slice %arg5[%add3A_246, %dma_start3A_252] : memref<8192x128xf32, #tpu.memory_space<hbm>> -> memref<32x128xf32, #tpu.memory_space<hbm>>
    %dma_start3A_254 = arith.constant 64 : i32
    %dma_start3A_255 = arith.constant 0 : i32
    %dma_start3A_256 = tpu.memref_slice %arg7[%dma_start3A_254, %dma_start3A_255] : memref<256x128xf32, #tpu.memory_space<vmem>> -> memref<32x128xf32, #tpu.memory_space<vmem>>
    tpu.enqueue_dma source(%dma_start3A_256 : memref<32x128xf32, #tpu.memory_space<vmem>>) target(%dma_start3A_253 : memref<32x128xf32, #tpu.memory_space<hbm>>) target_semaphore(%arg22 : memref<!tpu.dma_semaphore, #tpu.memory_space<semaphore_mem>>)
    %add3A_257 = arith.constant 4096 : i32
    %add3A_258 = arith.addi %add3A_257, %mul3A_2 : i32
    %add3A_259 = arith.constant 0 : i32
    %add3A_260 = arith.addi %add3A_258, %add3A_259 : i32
    %dma_start3A_261 = arith.constant 128 : i32
    %dma_start3A_262 = arith.constant 0 : i32
    %dma_start3A_263 = tpu.memref_slice %arg7[%dma_start3A_261, %dma_start3A_262] : memref<256x128xf32, #tpu.memory_space<vmem>> -> memref<32x128xf32, #tpu.memory_space<vmem>>
    %dma_start3A_264 = arith.constant 0 : i32
    %dma_start3A_265 = tpu.memref_slice %arg5[%add3A_260, %dma_start3A_264] : memref<8192x128xf32, #tpu.memory_space<hbm>> -> memref<32x128xf32, #tpu.memory_space<hbm>>
    %dma_start3A_266 = arith.constant 0 : i32
    %dma_start3A_267 = tpu.memref_slice %arg5[%add3A_260, %dma_start3A_266] : memref<8192x128xf32, #tpu.memory_space<hbm>> -> memref<32x128xf32, #tpu.memory_space<hbm>>
    %dma_start3A_268 = arith.constant 128 : i32
    %dma_start3A_269 = arith.constant 0 : i32
    %dma_start3A_270 = tpu.memref_slice %arg7[%dma_start3A_268, %dma_start3A_269] : memref<256x128xf32, #tpu.memory_space<vmem>> -> memref<32x128xf32, #tpu.memory_space<vmem>>
    tpu.enqueue_dma source(%dma_start3A_270 : memref<32x128xf32, #tpu.memory_space<vmem>>) target(%dma_start3A_267 : memref<32x128xf32, #tpu.memory_space<hbm>>) target_semaphore(%arg22 : memref<!tpu.dma_semaphore, #tpu.memory_space<semaphore_mem>>)
    %add3A_271 = arith.constant 6144 : i32
    %add3A_272 = arith.addi %add3A_271, %mul3A_2 : i32
    %add3A_273 = arith.constant 0 : i32
    %add3A_274 = arith.addi %add3A_272, %add3A_273 : i32
    %dma_start3A_275 = arith.constant 192 : i32
    %dma_start3A_276 = arith.constant 0 : i32
    %dma_start3A_277 = tpu.memref_slice %arg7[%dma_start3A_275, %dma_start3A_276] : memref<256x128xf32, #tpu.memory_space<vmem>> -> memref<32x128xf32, #tpu.memory_space<vmem>>
    %dma_start3A_278 = arith.constant 0 : i32
    %dma_start3A_279 = tpu.memref_slice %arg5[%add3A_274, %dma_start3A_278] : memref<8192x128xf32, #tpu.memory_space<hbm>> -> memref<32x128xf32, #tpu.memory_space<hbm>>
    %dma_start3A_280 = arith.constant 0 : i32
    %dma_start3A_281 = tpu.memref_slice %arg5[%add3A_274, %dma_start3A_280] : memref<8192x128xf32, #tpu.memory_space<hbm>> -> memref<32x128xf32, #tpu.memory_space<hbm>>
    %dma_start3A_282 = arith.constant 192 : i32
    %dma_start3A_283 = arith.constant 0 : i32
    %dma_start3A_284 = tpu.memref_slice %arg7[%dma_start3A_282, %dma_start3A_283] : memref<256x128xf32, #tpu.memory_space<vmem>> -> memref<32x128xf32, #tpu.memory_space<vmem>>
    tpu.enqueue_dma source(%dma_start3A_284 : memref<32x128xf32, #tpu.memory_space<vmem>>) target(%dma_start3A_281 : memref<32x128xf32, #tpu.memory_space<hbm>>) target_semaphore(%arg22 : memref<!tpu.dma_semaphore, #tpu.memory_space<semaphore_mem>>)
    %dma_wait3A_285 = arith.constant 0 : i32
    %dma_wait3A_286 = arith.constant 32 : i32
    %dma_wait3A_287 = arith.constant 0 : i32
    %dma_wait3A_288 = tpu.memref_slice %arg7[%dma_wait3A_286, %dma_wait3A_287] : memref<256x128xf32, #tpu.memory_space<vmem>> -> memref<32x128xf32, #tpu.memory_space<vmem>>
    %dma_wait3A_289 = tpu.memref_slice %arg6[%dma_wait3A_285, %add3A_141] : memref<4x128xi32, #tpu.memory_space<vmem>> -> memref<1x32xi32, #tpu.memory_space<vmem>>
    %dma_wait3A_290 = tpu.memref_squeeze %dma_wait3A_289 : memref<1x32xi32, #tpu.memory_space<vmem>> -> memref<32xi32, #tpu.memory_space<vmem>>
    %dma_wait3A_291 = arith.constant 0 : i32
    %dma_wait3A_292 = arith.constant 0 : i32
    %dma_wait3A_293 = tpu.memref_slice %arg3[%dma_wait3A_291, %dma_wait3A_292] : memref<100000x128xf32, #tpu.memory_space<hbm>> -> memref<100000x128xf32, #tpu.memory_space<hbm>>
    tpu.wait_indirect_dma semaphore(%arg17 : memref<!tpu.dma_semaphore, #tpu.memory_space<semaphore_mem>>) src(%dma_wait3A_293 : memref<100000x128xf32, #tpu.memory_space<hbm>>) dst(%dma_wait3A_288 : memref<32x128xf32, #tpu.memory_space<vmem>>)
    %dma_wait3A_294 = arith.constant 1 : i32
    %dma_wait3A_295 = arith.constant 96 : i32
    %dma_wait3A_296 = arith.constant 0 : i32
    %dma_wait3A_297 = tpu.memref_slice %arg7[%dma_wait3A_295, %dma_wait3A_296] : memref<256x128xf32, #tpu.memory_space<vmem>> -> memref<32x128xf32, #tpu.memory_space<vmem>>
    %dma_wait3A_298 = tpu.memref_slice %arg6[%dma_wait3A_294, %add3A_152] : memref<4x128xi32, #tpu.memory_space<vmem>> -> memref<1x32xi32, #tpu.memory_space<vmem>>
    %dma_wait3A_299 = tpu.memref_squeeze %dma_wait3A_298 : memref<1x32xi32, #tpu.memory_space<vmem>> -> memref<32xi32, #tpu.memory_space<vmem>>
    %dma_wait3A_300 = arith.constant 0 : i32
    %dma_wait3A_301 = arith.constant 0 : i32
    %dma_wait3A_302 = tpu.memref_slice %arg3[%dma_wait3A_300, %dma_wait3A_301] : memref<100000x128xf32, #tpu.memory_space<hbm>> -> memref<100000x128xf32, #tpu.memory_space<hbm>>
    tpu.wait_indirect_dma semaphore(%arg18 : memref<!tpu.dma_semaphore, #tpu.memory_space<semaphore_mem>>) src(%dma_wait3A_302 : memref<100000x128xf32, #tpu.memory_space<hbm>>) dst(%dma_wait3A_297 : memref<32x128xf32, #tpu.memory_space<vmem>>)
    %dma_wait3A_303 = arith.constant 2 : i32
    %dma_wait3A_304 = arith.constant 160 : i32
    %dma_wait3A_305 = arith.constant 0 : i32
    %dma_wait3A_306 = tpu.memref_slice %arg7[%dma_wait3A_304, %dma_wait3A_305] : memref<256x128xf32, #tpu.memory_space<vmem>> -> memref<32x128xf32, #tpu.memory_space<vmem>>
    %dma_wait3A_307 = tpu.memref_slice %arg6[%dma_wait3A_303, %add3A_163] : memref<4x128xi32, #tpu.memory_space<vmem>> -> memref<1x32xi32, #tpu.memory_space<vmem>>
    %dma_wait3A_308 = tpu.memref_squeeze %dma_wait3A_307 : memref<1x32xi32, #tpu.memory_space<vmem>> -> memref<32xi32, #tpu.memory_space<vmem>>
    %dma_wait3A_309 = arith.constant 0 : i32
    %dma_wait3A_310 = arith.constant 0 : i32
    %dma_wait3A_311 = tpu.memref_slice %arg3[%dma_wait3A_309, %dma_wait3A_310] : memref<100000x128xf32, #tpu.memory_space<hbm>> -> memref<100000x128xf32, #tpu.memory_space<hbm>>
    tpu.wait_indirect_dma semaphore(%arg19 : memref<!tpu.dma_semaphore, #tpu.memory_space<semaphore_mem>>) src(%dma_wait3A_311 : memref<100000x128xf32, #tpu.memory_space<hbm>>) dst(%dma_wait3A_306 : memref<32x128xf32, #tpu.memory_space<vmem>>)
    %dma_wait3A_312 = arith.constant 3 : i32
    %dma_wait3A_313 = arith.constant 224 : i32
    %dma_wait3A_314 = arith.constant 0 : i32
    %dma_wait3A_315 = tpu.memref_slice %arg7[%dma_wait3A_313, %dma_wait3A_314] : memref<256x128xf32, #tpu.memory_space<vmem>> -> memref<32x128xf32, #tpu.memory_space<vmem>>
    %dma_wait3A_316 = tpu.memref_slice %arg6[%dma_wait3A_312, %add3A_174] : memref<4x128xi32, #tpu.memory_space<vmem>> -> memref<1x32xi32, #tpu.memory_space<vmem>>
    %dma_wait3A_317 = tpu.memref_squeeze %dma_wait3A_316 : memref<1x32xi32, #tpu.memory_space<vmem>> -> memref<32xi32, #tpu.memory_space<vmem>>
    %dma_wait3A_318 = arith.constant 0 : i32
    %dma_wait3A_319 = arith.constant 0 : i32
    %dma_wait3A_320 = tpu.memref_slice %arg3[%dma_wait3A_318, %dma_wait3A_319] : memref<100000x128xf32, #tpu.memory_space<hbm>> -> memref<100000x128xf32, #tpu.memory_space<hbm>>
    tpu.wait_indirect_dma semaphore(%arg20 : memref<!tpu.dma_semaphore, #tpu.memory_space<semaphore_mem>>) src(%dma_wait3A_320 : memref<100000x128xf32, #tpu.memory_space<hbm>>) dst(%dma_wait3A_315 : memref<32x128xf32, #tpu.memory_space<vmem>>)
    %scan3A_321 = arith.constant 0 : i32
    %scan3A_322 = arith.constant 0 : i32
    %scan3A_323 = arith.constant 32 : i32
    %scan3A_324 = arith.addi %scan3A_322, %scan3A_323 : i32
    %scan3A_325 = arith.constant 1 : i32
    scf.for %scan3A_463 = %scan3A_322 to %scan3A_324 step %scan3A_325  : i32 {
      %add3A_464 = arith.constant 32 : i32
      %add3A_465 = arith.addi %add3A_464, %scan3A_463 : i32
      %get3A = arith.index_cast %add3A_465 : i32 to index
      %get3A_466 = arith.constant 0 : index
      %get3A_467 = tpu.vector_load %arg8[%get3A, %get3A_466] {strides = array<i32>} : memref<64x128xf32, #tpu.memory_space<vmem>>, vector<1x16xf32>,
      %get3A_468 = vector.shape_cast %get3A_467 : vector<1x16xf32> to vector<16xf32>
      %add3A_469 = arith.constant 0 : i32
      %add3A_470 = arith.addi %add3A_469, %add3A_465 : i32
      %swap3A = arith.index_cast %add3A_470 : i32 to index
      %swap3A_471 = arith.constant 0 : index
      %swap3A_472 = tpu.vector_load %arg7[%swap3A, %swap3A_471] {strides = array<i32>} : memref<256x128xf32, #tpu.memory_space<vmem>>, vector<1x16xf32>,
      %swap3A_473 = vector.shape_cast %swap3A_472 : vector<1x16xf32> to vector<16xf32>
      %swap3A_474 = vector.shape_cast %get3A_468 : vector<16xf32> to vector<1x16xf32>
      tpu.vector_store %arg7[%swap3A, %swap3A_471], %swap3A_474 {add = true, strides = array<i32>} : memref<256x128xf32, #tpu.memory_space<vmem>>, vector<1x16xf32>,
      %add3A_475 = arith.constant 64 : i32
      %add3A_476 = arith.addi %add3A_475, %add3A_465 : i32
      %swap3A_477 = arith.index_cast %add3A_476 : i32 to index
      %swap3A_478 = arith.constant 0 : index
      %swap3A_479 = tpu.vector_load %arg7[%swap3A_477, %swap3A_478] {strides = array<i32>} : memref<256x128xf32, #tpu.memory_space<vmem>>, vector<1x16xf32>,
      %swap3A_480 = vector.shape_cast %swap3A_479 : vector<1x16xf32> to vector<16xf32>
      %swap3A_481 = vector.shape_cast %get3A_468 : vector<16xf32> to vector<1x16xf32>
      tpu.vector_store %arg7[%swap3A_477, %swap3A_478], %swap3A_481 {add = true, strides = array<i32>} : memref<256x128xf32, #tpu.memory_space<vmem>>, vector<1x16xf32>,
      %add3A_482 = arith.constant 128 : i32
      %add3A_483 = arith.addi %add3A_482, %add3A_465 : i32
      %swap3A_484 = arith.index_cast %add3A_483 : i32 to index
      %swap3A_485 = arith.constant 0 : index
      %swap3A_486 = tpu.vector_load %arg7[%swap3A_484, %swap3A_485] {strides = array<i32>} : memref<256x128xf32, #tpu.memory_space<vmem>>, vector<1x16xf32>,
      %swap3A_487 = vector.shape_cast %swap3A_486 : vector<1x16xf32> to vector<16xf32>
      %swap3A_488 = vector.shape_cast %get3A_468 : vector<16xf32> to vector<1x16xf32>
      tpu.vector_store %arg7[%swap3A_484, %swap3A_485], %swap3A_488 {add = true, strides = array<i32>} : memref<256x128xf32, #tpu.memory_space<vmem>>, vector<1x16xf32>,
      %add3A_489 = arith.constant 192 : i32
      %add3A_490 = arith.addi %add3A_489, %add3A_465 : i32
      %swap3A_491 = arith.index_cast %add3A_490 : i32 to index
      %swap3A_492 = arith.constant 0 : index
      %swap3A_493 = tpu.vector_load %arg7[%swap3A_491, %swap3A_492] {strides = array<i32>} : memref<256x128xf32, #tpu.memory_space<vmem>>, vector<1x16xf32>,
      %swap3A_494 = vector.shape_cast %swap3A_493 : vector<1x16xf32> to vector<16xf32>
      %swap3A_495 = vector.shape_cast %get3A_468 : vector<16xf32> to vector<1x16xf32>
      tpu.vector_store %arg7[%swap3A_491, %swap3A_492], %swap3A_495 {add = true, strides = array<i32>} : memref<256x128xf32, #tpu.memory_space<vmem>>, vector<1x16xf32>,
      %get3A_496 = arith.index_cast %add3A_465 : i32 to index
      %get3A_497 = arith.constant 16 : index
      %get3A_498 = tpu.vector_load %arg8[%get3A_496, %get3A_497] {strides = array<i32>} : memref<64x128xf32, #tpu.memory_space<vmem>>, vector<1x16xf32>,
      %get3A_499 = vector.shape_cast %get3A_498 : vector<1x16xf32> to vector<16xf32>
      %add3A_500 = arith.constant 0 : i32
      %add3A_501 = arith.addi %add3A_500, %add3A_465 : i32
      %swap3A_502 = arith.index_cast %add3A_501 : i32 to index
      %swap3A_503 = arith.constant 16 : index
      %swap3A_504 = tpu.vector_load %arg7[%swap3A_502, %swap3A_503] {strides = array<i32>} : memref<256x128xf32, #tpu.memory_space<vmem>>, vector<1x16xf32>,
      %swap3A_505 = vector.shape_cast %swap3A_504 : vector<1x16xf32> to vector<16xf32>
      %swap3A_506 = vector.shape_cast %get3A_499 : vector<16xf32> to vector<1x16xf32>
      tpu.vector_store %arg7[%swap3A_502, %swap3A_503], %swap3A_506 {add = true, strides = array<i32>} : memref<256x128xf32, #tpu.memory_space<vmem>>, vector<1x16xf32>,
      %add3A_507 = arith.constant 64 : i32
      %add3A_508 = arith.addi %add3A_507, %add3A_465 : i32
      %swap3A_509 = arith.index_cast %add3A_508 : i32 to index
      %swap3A_510 = arith.constant 16 : index
      %swap3A_511 = tpu.vector_load %arg7[%swap3A_509, %swap3A_510] {strides = array<i32>} : memref<256x128xf32, #tpu.memory_space<vmem>>, vector<1x16xf32>,
      %swap3A_512 = vector.shape_cast %swap3A_511 : vector<1x16xf32> to vector<16xf32>
      %swap3A_513 = vector.shape_cast %get3A_499 : vector<16xf32> to vector<1x16xf32>
      tpu.vector_store %arg7[%swap3A_509, %swap3A_510], %swap3A_513 {add = true, strides = array<i32>} : memref<256x128xf32, #tpu.memory_space<vmem>>, vector<1x16xf32>,
      %add3A_514 = arith.constant 128 : i32
      %add3A_515 = arith.addi %add3A_514, %add3A_465 : i32
      %swap3A_516 = arith.index_cast %add3A_515 : i32 to index
      %swap3A_517 = arith.constant 16 : index
      %swap3A_518 = tpu.vector_load %arg7[%swap3A_516, %swap3A_517] {strides = array<i32>} : memref<256x128xf32, #tpu.memory_space<vmem>>, vector<1x16xf32>,
      %swap3A_519 = vector.shape_cast %swap3A_518 : vector<1x16xf32> to vector<16xf32>
      %swap3A_520 = vector.shape_cast %get3A_499 : vector<16xf32> to vector<1x16xf32>
      tpu.vector_store %arg7[%swap3A_516, %swap3A_517], %swap3A_520 {add = true, strides = array<i32>} : memref<256x128xf32, #tpu.memory_space<vmem>>, vector<1x16xf32>,
      %add3A_521 = arith.constant 192 : i32
      %add3A_522 = arith.addi %add3A_521, %add3A_465 : i32
      %swap3A_523 = arith.index_cast %add3A_522 : i32 to index
      %swap3A_524 = arith.constant 16 : index
      %swap3A_525 = tpu.vector_load %arg7[%swap3A_523, %swap3A_524] {strides = array<i32>} : memref<256x128xf32, #tpu.memory_space<vmem>>, vector<1x16xf32>,
      %swap3A_526 = vector.shape_cast %swap3A_525 : vector<1x16xf32> to vector<16xf32>
      %swap3A_527 = vector.shape_cast %get3A_499 : vector<16xf32> to vector<1x16xf32>
      tpu.vector_store %arg7[%swap3A_523, %swap3A_524], %swap3A_527 {add = true, strides = array<i32>} : memref<256x128xf32, #tpu.memory_space<vmem>>, vector<1x16xf32>,
      %get3A_528 = arith.index_cast %add3A_465 : i32 to index
      %get3A_529 = arith.constant 32 : index
      %get3A_530 = tpu.vector_load %arg8[%get3A_528, %get3A_529] {strides = array<i32>} : memref<64x128xf32, #tpu.memory_space<vmem>>, vector<1x16xf32>,
      %get3A_531 = vector.shape_cast %get3A_530 : vector<1x16xf32> to vector<16xf32>
      %add3A_532 = arith.constant 0 : i32
      %add3A_533 = arith.addi %add3A_532, %add3A_465 : i32
      %swap3A_534 = arith.index_cast %add3A_533 : i32 to index
      %swap3A_535 = arith.constant 32 : index
      %swap3A_536 = tpu.vector_load %arg7[%swap3A_534, %swap3A_535] {strides = array<i32>} : memref<256x128xf32, #tpu.memory_space<vmem>>, vector<1x16xf32>,
      %swap3A_537 = vector.shape_cast %swap3A_536 : vector<1x16xf32> to vector<16xf32>
      %swap3A_538 = vector.shape_cast %get3A_531 : vector<16xf32> to vector<1x16xf32>
      tpu.vector_store %arg7[%swap3A_534, %swap3A_535], %swap3A_538 {add = true, strides = array<i32>} : memref<256x128xf32, #tpu.memory_space<vmem>>, vector<1x16xf32>,
      %add3A_539 = arith.constant 64 : i32
      %add3A_540 = arith.addi %add3A_539, %add3A_465 : i32
      %swap3A_541 = arith.index_cast %add3A_540 : i32 to index
      %swap3A_542 = arith.constant 32 : index
      %swap3A_543 = tpu.vector_load %arg7[%swap3A_541, %swap3A_542] {strides = array<i32>} : memref<256x128xf32, #tpu.memory_space<vmem>>, vector<1x16xf32>,
      %swap3A_544 = vector.shape_cast %swap3A_543 : vector<1x16xf32> to vector<16xf32>
      %swap3A_545 = vector.shape_cast %get3A_531 : vector<16xf32> to vector<1x16xf32>
      tpu.vector_store %arg7[%swap3A_541, %swap3A_542], %swap3A_545 {add = true, strides = array<i32>} : memref<256x128xf32, #tpu.memory_space<vmem>>, vector<1x16xf32>,
      %add3A_546 = arith.constant 128 : i32
      %add3A_547 = arith.addi %add3A_546, %add3A_465 : i32
      %swap3A_548 = arith.index_cast %add3A_547 : i32 to index
      %swap3A_549 = arith.constant 32 : index
      %swap3A_550 = tpu.vector_load %arg7[%swap3A_548, %swap3A_549] {strides = array<i32>} : memref<256x128xf32, #tpu.memory_space<vmem>>, vector<1x16xf32>,
      %swap3A_551 = vector.shape_cast %swap3A_550 : vector<1x16xf32> to vector<16xf32>
      %swap3A_552 = vector.shape_cast %get3A_531 : vector<16xf32> to vector<1x16xf32>
      tpu.vector_store %arg7[%swap3A_548, %swap3A_549], %swap3A_552 {add = true, strides = array<i32>} : memref<256x128xf32, #tpu.memory_space<vmem>>, vector<1x16xf32>,
      %add3A_553 = arith.constant 192 : i32
      %add3A_554 = arith.addi %add3A_553, %add3A_465 : i32
      %swap3A_555 = arith.index_cast %add3A_554 : i32 to index
      %swap3A_556 = arith.constant 32 : index
      %swap3A_557 = tpu.vector_load %arg7[%swap3A_555, %swap3A_556] {strides = array<i32>} : memref<256x128xf32, #tpu.memory_space<vmem>>, vector<1x16xf32>,
      %swap3A_558 = vector.shape_cast %swap3A_557 : vector<1x16xf32> to vector<16xf32>
      %swap3A_559 = vector.shape_cast %get3A_531 : vector<16xf32> to vector<1x16xf32>
      tpu.vector_store %arg7[%swap3A_555, %swap3A_556], %swap3A_559 {add = true, strides = array<i32>} : memref<256x128xf32, #tpu.memory_space<vmem>>, vector<1x16xf32>,
      %get3A_560 = arith.index_cast %add3A_465 : i32 to index
      %get3A_561 = arith.constant 48 : index
      %get3A_562 = tpu.vector_load %arg8[%get3A_560, %get3A_561] {strides = array<i32>} : memref<64x128xf32, #tpu.memory_space<vmem>>, vector<1x16xf32>,
      %get3A_563 = vector.shape_cast %get3A_562 : vector<1x16xf32> to vector<16xf32>
      %add3A_564 = arith.constant 0 : i32
      %add3A_565 = arith.addi %add3A_564, %add3A_465 : i32
      %swap3A_566 = arith.index_cast %add3A_565 : i32 to index
      %swap3A_567 = arith.constant 48 : index
      %swap3A_568 = tpu.vector_load %arg7[%swap3A_566, %swap3A_567] {strides = array<i32>} : memref<256x128xf32, #tpu.memory_space<vmem>>, vector<1x16xf32>,
      %swap3A_569 = vector.shape_cast %swap3A_568 : vector<1x16xf32> to vector<16xf32>
      %swap3A_570 = vector.shape_cast %get3A_563 : vector<16xf32> to vector<1x16xf32>
      tpu.vector_store %arg7[%swap3A_566, %swap3A_567], %swap3A_570 {add = true, strides = array<i32>} : memref<256x128xf32, #tpu.memory_space<vmem>>, vector<1x16xf32>,
      %add3A_571 = arith.constant 64 : i32
      %add3A_572 = arith.addi %add3A_571, %add3A_465 : i32
      %swap3A_573 = arith.index_cast %add3A_572 : i32 to index
      %swap3A_574 = arith.constant 48 : index
      %swap3A_575 = tpu.vector_load %arg7[%swap3A_573, %swap3A_574] {strides = array<i32>} : memref<256x128xf32, #tpu.memory_space<vmem>>, vector<1x16xf32>,
      %swap3A_576 = vector.shape_cast %swap3A_575 : vector<1x16xf32> to vector<16xf32>
      %swap3A_577 = vector.shape_cast %get3A_563 : vector<16xf32> to vector<1x16xf32>
      tpu.vector_store %arg7[%swap3A_573, %swap3A_574], %swap3A_577 {add = true, strides = array<i32>} : memref<256x128xf32, #tpu.memory_space<vmem>>, vector<1x16xf32>,
      %add3A_578 = arith.constant 128 : i32
      %add3A_579 = arith.addi %add3A_578, %add3A_465 : i32
      %swap3A_580 = arith.index_cast %add3A_579 : i32 to index
      %swap3A_581 = arith.constant 48 : index
      %swap3A_582 = tpu.vector_load %arg7[%swap3A_580, %swap3A_581] {strides = array<i32>} : memref<256x128xf32, #tpu.memory_space<vmem>>, vector<1x16xf32>,
      %swap3A_583 = vector.shape_cast %swap3A_582 : vector<1x16xf32> to vector<16xf32>
      %swap3A_584 = vector.shape_cast %get3A_563 : vector<16xf32> to vector<1x16xf32>
      tpu.vector_store %arg7[%swap3A_580, %swap3A_581], %swap3A_584 {add = true, strides = array<i32>} : memref<256x128xf32, #tpu.memory_space<vmem>>, vector<1x16xf32>,
      %add3A_585 = arith.constant 192 : i32
      %add3A_586 = arith.addi %add3A_585, %add3A_465 : i32
      %swap3A_587 = arith.index_cast %add3A_586 : i32 to index
      %swap3A_588 = arith.constant 48 : index
      %swap3A_589 = tpu.vector_load %arg7[%swap3A_587, %swap3A_588] {strides = array<i32>} : memref<256x128xf32, #tpu.memory_space<vmem>>, vector<1x16xf32>,
      %swap3A_590 = vector.shape_cast %swap3A_589 : vector<1x16xf32> to vector<16xf32>
      %swap3A_591 = vector.shape_cast %get3A_563 : vector<16xf32> to vector<1x16xf32>
      tpu.vector_store %arg7[%swap3A_587, %swap3A_588], %swap3A_591 {add = true, strides = array<i32>} : memref<256x128xf32, #tpu.memory_space<vmem>>, vector<1x16xf32>,
      %get3A_592 = arith.index_cast %add3A_465 : i32 to index
      %get3A_593 = arith.constant 64 : index
      %get3A_594 = tpu.vector_load %arg8[%get3A_592, %get3A_593] {strides = array<i32>} : memref<64x128xf32, #tpu.memory_space<vmem>>, vector<1x16xf32>,
      %get3A_595 = vector.shape_cast %get3A_594 : vector<1x16xf32> to vector<16xf32>
      %add3A_596 = arith.constant 0 : i32
      %add3A_597 = arith.addi %add3A_596, %add3A_465 : i32
      %swap3A_598 = arith.index_cast %add3A_597 : i32 to index
      %swap3A_599 = arith.constant 64 : index
      %swap3A_600 = tpu.vector_load %arg7[%swap3A_598, %swap3A_599] {strides = array<i32>} : memref<256x128xf32, #tpu.memory_space<vmem>>, vector<1x16xf32>,
      %swap3A_601 = vector.shape_cast %swap3A_600 : vector<1x16xf32> to vector<16xf32>
      %swap3A_602 = vector.shape_cast %get3A_595 : vector<16xf32> to vector<1x16xf32>
      tpu.vector_store %arg7[%swap3A_598, %swap3A_599], %swap3A_602 {add = true, strides = array<i32>} : memref<256x128xf32, #tpu.memory_space<vmem>>, vector<1x16xf32>,
      %add3A_603 = arith.constant 64 : i32
      %add3A_604 = arith.addi %add3A_603, %add3A_465 : i32
      %swap3A_605 = arith.index_cast %add3A_604 : i32 to index
      %swap3A_606 = arith.constant 64 : index
      %swap3A_607 = tpu.vector_load %arg7[%swap3A_605, %swap3A_606] {strides = array<i32>} : memref<256x128xf32, #tpu.memory_space<vmem>>, vector<1x16xf32>,
      %swap3A_608 = vector.shape_cast %swap3A_607 : vector<1x16xf32> to vector<16xf32>
      %swap3A_609 = vector.shape_cast %get3A_595 : vector<16xf32> to vector<1x16xf32>
      tpu.vector_store %arg7[%swap3A_605, %swap3A_606], %swap3A_609 {add = true, strides = array<i32>} : memref<256x128xf32, #tpu.memory_space<vmem>>, vector<1x16xf32>,
      %add3A_610 = arith.constant 128 : i32
      %add3A_611 = arith.addi %add3A_610, %add3A_465 : i32
      %swap3A_612 = arith.index_cast %add3A_611 : i32 to index
      %swap3A_613 = arith.constant 64 : index
      %swap3A_614 = tpu.vector_load %arg7[%swap3A_612, %swap3A_613] {strides = array<i32>} : memref<256x128xf32, #tpu.memory_space<vmem>>, vector<1x16xf32>,
      %swap3A_615 = vector.shape_cast %swap3A_614 : vector<1x16xf32> to vector<16xf32>
      %swap3A_616 = vector.shape_cast %get3A_595 : vector<16xf32> to vector<1x16xf32>
      tpu.vector_store %arg7[%swap3A_612, %swap3A_613], %swap3A_616 {add = true, strides = array<i32>} : memref<256x128xf32, #tpu.memory_space<vmem>>, vector<1x16xf32>,
      %add3A_617 = arith.constant 192 : i32
      %add3A_618 = arith.addi %add3A_617, %add3A_465 : i32
      %swap3A_619 = arith.index_cast %add3A_618 : i32 to index
      %swap3A_620 = arith.constant 64 : index
      %swap3A_621 = tpu.vector_load %arg7[%swap3A_619, %swap3A_620] {strides = array<i32>} : memref<256x128xf32, #tpu.memory_space<vmem>>, vector<1x16xf32>,
      %swap3A_622 = vector.shape_cast %swap3A_621 : vector<1x16xf32> to vector<16xf32>
      %swap3A_623 = vector.shape_cast %get3A_595 : vector<16xf32> to vector<1x16xf32>
      tpu.vector_store %arg7[%swap3A_619, %swap3A_620], %swap3A_623 {add = true, strides = array<i32>} : memref<256x128xf32, #tpu.memory_space<vmem>>, vector<1x16xf32>,
      %get3A_624 = arith.index_cast %add3A_465 : i32 to index
      %get3A_625 = arith.constant 80 : index
      %get3A_626 = tpu.vector_load %arg8[%get3A_624, %get3A_625] {strides = array<i32>} : memref<64x128xf32, #tpu.memory_space<vmem>>, vector<1x16xf32>,
      %get3A_627 = vector.shape_cast %get3A_626 : vector<1x16xf32> to vector<16xf32>
      %add3A_628 = arith.constant 0 : i32
      %add3A_629 = arith.addi %add3A_628, %add3A_465 : i32
      %swap3A_630 = arith.index_cast %add3A_629 : i32 to index
      %swap3A_631 = arith.constant 80 : index
      %swap3A_632 = tpu.vector_load %arg7[%swap3A_630, %swap3A_631] {strides = array<i32>} : memref<256x128xf32, #tpu.memory_space<vmem>>, vector<1x16xf32>,
      %swap3A_633 = vector.shape_cast %swap3A_632 : vector<1x16xf32> to vector<16xf32>
      %swap3A_634 = vector.shape_cast %get3A_627 : vector<16xf32> to vector<1x16xf32>
      tpu.vector_store %arg7[%swap3A_630, %swap3A_631], %swap3A_634 {add = true, strides = array<i32>} : memref<256x128xf32, #tpu.memory_space<vmem>>, vector<1x16xf32>,
      %add3A_635 = arith.constant 64 : i32
      %add3A_636 = arith.addi %add3A_635, %add3A_465 : i32
      %swap3A_637 = arith.index_cast %add3A_636 : i32 to index
      %swap3A_638 = arith.constant 80 : index
      %swap3A_639 = tpu.vector_load %arg7[%swap3A_637, %swap3A_638] {strides = array<i32>} : memref<256x128xf32, #tpu.memory_space<vmem>>, vector<1x16xf32>,
      %swap3A_640 = vector.shape_cast %swap3A_639 : vector<1x16xf32> to vector<16xf32>
      %swap3A_641 = vector.shape_cast %get3A_627 : vector<16xf32> to vector<1x16xf32>
      tpu.vector_store %arg7[%swap3A_637, %swap3A_638], %swap3A_641 {add = true, strides = array<i32>} : memref<256x128xf32, #tpu.memory_space<vmem>>, vector<1x16xf32>,
      %add3A_642 = arith.constant 128 : i32
      %add3A_643 = arith.addi %add3A_642, %add3A_465 : i32
      %swap3A_644 = arith.index_cast %add3A_643 : i32 to index
      %swap3A_645 = arith.constant 80 : index
      %swap3A_646 = tpu.vector_load %arg7[%swap3A_644, %swap3A_645] {strides = array<i32>} : memref<256x128xf32, #tpu.memory_space<vmem>>, vector<1x16xf32>,
      %swap3A_647 = vector.shape_cast %swap3A_646 : vector<1x16xf32> to vector<16xf32>
      %swap3A_648 = vector.shape_cast %get3A_627 : vector<16xf32> to vector<1x16xf32>
      tpu.vector_store %arg7[%swap3A_644, %swap3A_645], %swap3A_648 {add = true, strides = array<i32>} : memref<256x128xf32, #tpu.memory_space<vmem>>, vector<1x16xf32>,
      %add3A_649 = arith.constant 192 : i32
      %add3A_650 = arith.addi %add3A_649, %add3A_465 : i32
      %swap3A_651 = arith.index_cast %add3A_650 : i32 to index
      %swap3A_652 = arith.constant 80 : index
      %swap3A_653 = tpu.vector_load %arg7[%swap3A_651, %swap3A_652] {strides = array<i32>} : memref<256x128xf32, #tpu.memory_space<vmem>>, vector<1x16xf32>,
      %swap3A_654 = vector.shape_cast %swap3A_653 : vector<1x16xf32> to vector<16xf32>
      %swap3A_655 = vector.shape_cast %get3A_627 : vector<16xf32> to vector<1x16xf32>
      tpu.vector_store %arg7[%swap3A_651, %swap3A_652], %swap3A_655 {add = true, strides = array<i32>} : memref<256x128xf32, #tpu.memory_space<vmem>>, vector<1x16xf32>,
      %get3A_656 = arith.index_cast %add3A_465 : i32 to index
      %get3A_657 = arith.constant 96 : index
      %get3A_658 = tpu.vector_load %arg8[%get3A_656, %get3A_657] {strides = array<i32>} : memref<64x128xf32, #tpu.memory_space<vmem>>, vector<1x16xf32>,
      %get3A_659 = vector.shape_cast %get3A_658 : vector<1x16xf32> to vector<16xf32>
      %add3A_660 = arith.constant 0 : i32
      %add3A_661 = arith.addi %add3A_660, %add3A_465 : i32
      %swap3A_662 = arith.index_cast %add3A_661 : i32 to index
      %swap3A_663 = arith.constant 96 : index
      %swap3A_664 = tpu.vector_load %arg7[%swap3A_662, %swap3A_663] {strides = array<i32>} : memref<256x128xf32, #tpu.memory_space<vmem>>, vector<1x16xf32>,
      %swap3A_665 = vector.shape_cast %swap3A_664 : vector<1x16xf32> to vector<16xf32>
      %swap3A_666 = vector.shape_cast %get3A_659 : vector<16xf32> to vector<1x16xf32>
      tpu.vector_store %arg7[%swap3A_662, %swap3A_663], %swap3A_666 {add = true, strides = array<i32>} : memref<256x128xf32, #tpu.memory_space<vmem>>, vector<1x16xf32>,
      %add3A_667 = arith.constant 64 : i32
      %add3A_668 = arith.addi %add3A_667, %add3A_465 : i32
      %swap3A_669 = arith.index_cast %add3A_668 : i32 to index
      %swap3A_670 = arith.constant 96 : index
      %swap3A_671 = tpu.vector_load %arg7[%swap3A_669, %swap3A_670] {strides = array<i32>} : memref<256x128xf32, #tpu.memory_space<vmem>>, vector<1x16xf32>,
      %swap3A_672 = vector.shape_cast %swap3A_671 : vector<1x16xf32> to vector<16xf32>
      %swap3A_673 = vector.shape_cast %get3A_659 : vector<16xf32> to vector<1x16xf32>
      tpu.vector_store %arg7[%swap3A_669, %swap3A_670], %swap3A_673 {add = true, strides = array<i32>} : memref<256x128xf32, #tpu.memory_space<vmem>>, vector<1x16xf32>,
      %add3A_674 = arith.constant 128 : i32
      %add3A_675 = arith.addi %add3A_674, %add3A_465 : i32
      %swap3A_676 = arith.index_cast %add3A_675 : i32 to index
      %swap3A_677 = arith.constant 96 : index
      %swap3A_678 = tpu.vector_load %arg7[%swap3A_676, %swap3A_677] {strides = array<i32>} : memref<256x128xf32, #tpu.memory_space<vmem>>, vector<1x16xf32>,
      %swap3A_679 = vector.shape_cast %swap3A_678 : vector<1x16xf32> to vector<16xf32>
      %swap3A_680 = vector.shape_cast %get3A_659 : vector<16xf32> to vector<1x16xf32>
      tpu.vector_store %arg7[%swap3A_676, %swap3A_677], %swap3A_680 {add = true, strides = array<i32>} : memref<256x128xf32, #tpu.memory_space<vmem>>, vector<1x16xf32>,
      %add3A_681 = arith.constant 192 : i32
      %add3A_682 = arith.addi %add3A_681, %add3A_465 : i32
      %swap3A_683 = arith.index_cast %add3A_682 : i32 to index
      %swap3A_684 = arith.constant 96 : index
      %swap3A_685 = tpu.vector_load %arg7[%swap3A_683, %swap3A_684] {strides = array<i32>} : memref<256x128xf32, #tpu.memory_space<vmem>>, vector<1x16xf32>,
      %swap3A_686 = vector.shape_cast %swap3A_685 : vector<1x16xf32> to vector<16xf32>
      %swap3A_687 = vector.shape_cast %get3A_659 : vector<16xf32> to vector<1x16xf32>
      tpu.vector_store %arg7[%swap3A_683, %swap3A_684], %swap3A_687 {add = true, strides = array<i32>} : memref<256x128xf32, #tpu.memory_space<vmem>>, vector<1x16xf32>,
      %get3A_688 = arith.index_cast %add3A_465 : i32 to index
      %get3A_689 = arith.constant 112 : index
      %get3A_690 = tpu.vector_load %arg8[%get3A_688, %get3A_689] {strides = array<i32>} : memref<64x128xf32, #tpu.memory_space<vmem>>, vector<1x16xf32>,
      %get3A_691 = vector.shape_cast %get3A_690 : vector<1x16xf32> to vector<16xf32>
      %add3A_692 = arith.constant 0 : i32
      %add3A_693 = arith.addi %add3A_692, %add3A_465 : i32
      %swap3A_694 = arith.index_cast %add3A_693 : i32 to index
      %swap3A_695 = arith.constant 112 : index
      %swap3A_696 = tpu.vector_load %arg7[%swap3A_694, %swap3A_695] {strides = array<i32>} : memref<256x128xf32, #tpu.memory_space<vmem>>, vector<1x16xf32>,
      %swap3A_697 = vector.shape_cast %swap3A_696 : vector<1x16xf32> to vector<16xf32>
      %swap3A_698 = vector.shape_cast %get3A_691 : vector<16xf32> to vector<1x16xf32>
      tpu.vector_store %arg7[%swap3A_694, %swap3A_695], %swap3A_698 {add = true, strides = array<i32>} : memref<256x128xf32, #tpu.memory_space<vmem>>, vector<1x16xf32>,
      %add3A_699 = arith.constant 64 : i32
      %add3A_700 = arith.addi %add3A_699, %add3A_465 : i32
      %swap3A_701 = arith.index_cast %add3A_700 : i32 to index
      %swap3A_702 = arith.constant 112 : index
      %swap3A_703 = tpu.vector_load %arg7[%swap3A_701, %swap3A_702] {strides = array<i32>} : memref<256x128xf32, #tpu.memory_space<vmem>>, vector<1x16xf32>,
      %swap3A_704 = vector.shape_cast %swap3A_703 : vector<1x16xf32> to vector<16xf32>
      %swap3A_705 = vector.shape_cast %get3A_691 : vector<16xf32> to vector<1x16xf32>
      tpu.vector_store %arg7[%swap3A_701, %swap3A_702], %swap3A_705 {add = true, strides = array<i32>} : memref<256x128xf32, #tpu.memory_space<vmem>>, vector<1x16xf32>,
      %add3A_706 = arith.constant 128 : i32
      %add3A_707 = arith.addi %add3A_706, %add3A_465 : i32
      %swap3A_708 = arith.index_cast %add3A_707 : i32 to index
      %swap3A_709 = arith.constant 112 : index
      %swap3A_710 = tpu.vector_load %arg7[%swap3A_708, %swap3A_709] {strides = array<i32>} : memref<256x128xf32, #tpu.memory_space<vmem>>, vector<1x16xf32>,
      %swap3A_711 = vector.shape_cast %swap3A_710 : vector<1x16xf32> to vector<16xf32>
      %swap3A_712 = vector.shape_cast %get3A_691 : vector<16xf32> to vector<1x16xf32>
      tpu.vector_store %arg7[%swap3A_708, %swap3A_709], %swap3A_712 {add = true, strides = array<i32>} : memref<256x128xf32, #tpu.memory_space<vmem>>, vector<1x16xf32>,
      %add3A_713 = arith.constant 192 : i32
      %add3A_714 = arith.addi %add3A_713, %add3A_465 : i32
      %swap3A_715 = arith.index_cast %add3A_714 : i32 to index
      %swap3A_716 = arith.constant 112 : index
      %swap3A_717 = tpu.vector_load %arg7[%swap3A_715, %swap3A_716] {strides = array<i32>} : memref<256x128xf32, #tpu.memory_space<vmem>>, vector<1x16xf32>,
      %swap3A_718 = vector.shape_cast %swap3A_717 : vector<1x16xf32> to vector<16xf32>
      %swap3A_719 = vector.shape_cast %get3A_691 : vector<16xf32> to vector<1x16xf32>
      tpu.vector_store %arg7[%swap3A_715, %swap3A_716], %swap3A_719 {add = true, strides = array<i32>} : memref<256x128xf32, #tpu.memory_space<vmem>>, vector<1x16xf32>,
    }
    %scan3A_326 = arith.constant 32 : i32
    %add3A_327 = arith.constant 0 : i32
    %add3A_328 = arith.addi %add3A_327, %mul3A_2 : i32
    %add3A_329 = arith.constant 32 : i32
    %add3A_330 = arith.addi %add3A_328, %add3A_329 : i32
    %dma_start3A_331 = arith.constant 32 : i32
    %dma_start3A_332 = arith.constant 0 : i32
    %dma_start3A_333 = tpu.memref_slice %arg7[%dma_start3A_331, %dma_start3A_332] : memref<256x128xf32, #tpu.memory_space<vmem>> -> memref<32x128xf32, #tpu.memory_space<vmem>>
    %dma_start3A_334 = arith.constant 0 : i32
    %dma_start3A_335 = tpu.memref_slice %arg5[%add3A_330, %dma_start3A_334] : memref<8192x128xf32, #tpu.memory_space<hbm>> -> memref<32x128xf32, #tpu.memory_space<hbm>>
    %dma_start3A_336 = arith.constant 0 : i32
    %dma_start3A_337 = tpu.memref_slice %arg5[%add3A_330, %dma_start3A_336] : memref<8192x128xf32, #tpu.memory_space<hbm>> -> memref<32x128xf32, #tpu.memory_space<hbm>>
    %dma_start3A_338 = arith.constant 32 : i32
    %dma_start3A_339 = arith.constant 0 : i32
    %dma_start3A_340 = tpu.memref_slice %arg7[%dma_start3A_338, %dma_start3A_339] : memref<256x128xf32, #tpu.memory_space<vmem>> -> memref<32x128xf32, #tpu.memory_space<vmem>>
    tpu.enqueue_dma source(%dma_start3A_340 : memref<32x128xf32, #tpu.memory_space<vmem>>) target(%dma_start3A_337 : memref<32x128xf32, #tpu.memory_space<hbm>>) target_semaphore(%arg22 : memref<!tpu.dma_semaphore, #tpu.memory_space<semaphore_mem>>)
    %add3A_341 = arith.constant 2048 : i32
    %add3A_342 = arith.addi %add3A_341, %mul3A_2 : i32
    %add3A_343 = arith.constant 32 : i32
    %add3A_344 = arith.addi %add3A_342, %add3A_343 : i32
    %dma_start3A_345 = arith.constant 96 : i32
    %dma_start3A_346 = arith.constant 0 : i32
    %dma_start3A_347 = tpu.memref_slice %arg7[%dma_start3A_345, %dma_start3A_346] : memref<256x128xf32, #tpu.memory_space<vmem>> -> memref<32x128xf32, #tpu.memory_space<vmem>>
    %dma_start3A_348 = arith.constant 0 : i32
    %dma_start3A_349 = tpu.memref_slice %arg5[%add3A_344, %dma_start3A_348] : memref<8192x128xf32, #tpu.memory_space<hbm>> -> memref<32x128xf32, #tpu.memory_space<hbm>>
    %dma_start3A_350 = arith.constant 0 : i32
    %dma_start3A_351 = tpu.memref_slice %arg5[%add3A_344, %dma_start3A_350] : memref<8192x128xf32, #tpu.memory_space<hbm>> -> memref<32x128xf32, #tpu.memory_space<hbm>>
    %dma_start3A_352 = arith.constant 96 : i32
    %dma_start3A_353 = arith.constant 0 : i32
    %dma_start3A_354 = tpu.memref_slice %arg7[%dma_start3A_352, %dma_start3A_353] : memref<256x128xf32, #tpu.memory_space<vmem>> -> memref<32x128xf32, #tpu.memory_space<vmem>>
    tpu.enqueue_dma source(%dma_start3A_354 : memref<32x128xf32, #tpu.memory_space<vmem>>) target(%dma_start3A_351 : memref<32x128xf32, #tpu.memory_space<hbm>>) target_semaphore(%arg22 : memref<!tpu.dma_semaphore, #tpu.memory_space<semaphore_mem>>)
    %add3A_355 = arith.constant 4096 : i32
    %add3A_356 = arith.addi %add3A_355, %mul3A_2 : i32
    %add3A_357 = arith.constant 32 : i32
    %add3A_358 = arith.addi %add3A_356, %add3A_357 : i32
    %dma_start3A_359 = arith.constant 160 : i32
    %dma_start3A_360 = arith.constant 0 : i32
    %dma_start3A_361 = tpu.memref_slice %arg7[%dma_start3A_359, %dma_start3A_360] : memref<256x128xf32, #tpu.memory_space<vmem>> -> memref<32x128xf32, #tpu.memory_space<vmem>>
    %dma_start3A_362 = arith.constant 0 : i32
    %dma_start3A_363 = tpu.memref_slice %arg5[%add3A_358, %dma_start3A_362] : memref<8192x128xf32, #tpu.memory_space<hbm>> -> memref<32x128xf32, #tpu.memory_space<hbm>>
    %dma_start3A_364 = arith.constant 0 : i32
    %dma_start3A_365 = tpu.memref_slice %arg5[%add3A_358, %dma_start3A_364] : memref<8192x128xf32, #tpu.memory_space<hbm>> -> memref<32x128xf32, #tpu.memory_space<hbm>>
    %dma_start3A_366 = arith.constant 160 : i32
    %dma_start3A_367 = arith.constant 0 : i32
    %dma_start3A_368 = tpu.memref_slice %arg7[%dma_start3A_366, %dma_start3A_367] : memref<256x128xf32, #tpu.memory_space<vmem>> -> memref<32x128xf32, #tpu.memory_space<vmem>>
    tpu.enqueue_dma source(%dma_start3A_368 : memref<32x128xf32, #tpu.memory_space<vmem>>) target(%dma_start3A_365 : memref<32x128xf32, #tpu.memory_space<hbm>>) target_semaphore(%arg22 : memref<!tpu.dma_semaphore, #tpu.memory_space<semaphore_mem>>)
    %add3A_369 = arith.constant 6144 : i32
    %add3A_370 = arith.addi %add3A_369, %mul3A_2 : i32
    %add3A_371 = arith.constant 32 : i32
    %add3A_372 = arith.addi %add3A_370, %add3A_371 : i32
    %dma_start3A_373 = arith.constant 224 : i32
    %dma_start3A_374 = arith.constant 0 : i32
    %dma_start3A_375 = tpu.memref_slice %arg7[%dma_start3A_373, %dma_start3A_374] : memref<256x128xf32, #tpu.memory_space<vmem>> -> memref<32x128xf32, #tpu.memory_space<vmem>>
    %dma_start3A_376 = arith.constant 0 : i32
    %dma_start3A_377 = tpu.memref_slice %arg5[%add3A_372, %dma_start3A_376] : memref<8192x128xf32, #tpu.memory_space<hbm>> -> memref<32x128xf32, #tpu.memory_space<hbm>>
    %dma_start3A_378 = arith.constant 0 : i32
    %dma_start3A_379 = tpu.memref_slice %arg5[%add3A_372, %dma_start3A_378] : memref<8192x128xf32, #tpu.memory_space<hbm>> -> memref<32x128xf32, #tpu.memory_space<hbm>>
    %dma_start3A_380 = arith.constant 224 : i32
    %dma_start3A_381 = arith.constant 0 : i32
    %dma_start3A_382 = tpu.memref_slice %arg7[%dma_start3A_380, %dma_start3A_381] : memref<256x128xf32, #tpu.memory_space<vmem>> -> memref<32x128xf32, #tpu.memory_space<vmem>>
    tpu.enqueue_dma source(%dma_start3A_382 : memref<32x128xf32, #tpu.memory_space<vmem>>) target(%dma_start3A_379 : memref<32x128xf32, #tpu.memory_space<hbm>>) target_semaphore(%arg22 : memref<!tpu.dma_semaphore, #tpu.memory_space<semaphore_mem>>)
    %dma_wait3A_383 = arith.constant 0 : i32
    %dma_wait3A_384 = arith.constant 0 : i32
    %dma_wait3A_385 = tpu.memref_slice %arg7[%dma_wait3A_383, %dma_wait3A_384] : memref<256x128xf32, #tpu.memory_space<vmem>> -> memref<32x128xf32, #tpu.memory_space<vmem>>
    %dma_wait3A_386 = arith.constant 0 : i32
    %dma_wait3A_387 = tpu.memref_slice %arg5[%add3A_232, %dma_wait3A_386] : memref<8192x128xf32, #tpu.memory_space<hbm>> -> memref<32x128xf32, #tpu.memory_space<hbm>>
    %dma_wait3A_388 = arith.constant 0 : i32
    %dma_wait3A_389 = tpu.memref_slice %arg5[%add3A_232, %dma_wait3A_388] : memref<8192x128xf32, #tpu.memory_space<hbm>> -> memref<32x128xf32, #tpu.memory_space<hbm>>
    %dma_wait3A_390 = arith.constant 0 : i32
    %dma_wait3A_391 = arith.constant 0 : i32
    %dma_wait3A_392 = tpu.memref_slice %arg7[%dma_wait3A_390, %dma_wait3A_391] : memref<256x128xf32, #tpu.memory_space<vmem>> -> memref<32x128xf32, #tpu.memory_space<vmem>>
    tpu.wait_dma2 semaphore(%arg22 : memref<!tpu.dma_semaphore, #tpu.memory_space<semaphore_mem>>) src(%dma_wait3A_392 : memref<32x128xf32, #tpu.memory_space<vmem>>) dst(%dma_wait3A_389 : memref<32x128xf32, #tpu.memory_space<hbm>>)
    %dma_wait3A_393 = arith.constant 64 : i32
    %dma_wait3A_394 = arith.constant 0 : i32
    %dma_wait3A_395 = tpu.memref_slice %arg7[%dma_wait3A_393, %dma_wait3A_394] : memref<256x128xf32, #tpu.memory_space<vmem>> -> memref<32x128xf32, #tpu.memory_space<vmem>>
    %dma_wait3A_396 = arith.constant 0 : i32
    %dma_wait3A_397 = tpu.memref_slice %arg5[%add3A_246, %dma_wait3A_396] : memref<8192x128xf32, #tpu.memory_space<hbm>> -> memref<32x128xf32, #tpu.memory_space<hbm>>
    %dma_wait3A_398 = arith.constant 0 : i32
    %dma_wait3A_399 = tpu.memref_slice %arg5[%add3A_246, %dma_wait3A_398] : memref<8192x128xf32, #tpu.memory_space<hbm>> -> memref<32x128xf32, #tpu.memory_space<hbm>>
    %dma_wait3A_400 = arith.constant 64 : i32
    %dma_wait3A_401 = arith.constant 0 : i32
    %dma_wait3A_402 = tpu.memref_slice %arg7[%dma_wait3A_400, %dma_wait3A_401] : memref<256x128xf32, #tpu.memory_space<vmem>> -> memref<32x128xf32, #tpu.memory_space<vmem>>
    tpu.wait_dma2 semaphore(%arg22 : memref<!tpu.dma_semaphore, #tpu.memory_space<semaphore_mem>>) src(%dma_wait3A_402 : memref<32x128xf32, #tpu.memory_space<vmem>>) dst(%dma_wait3A_399 : memref<32x128xf32, #tpu.memory_space<hbm>>)
    %dma_wait3A_403 = arith.constant 128 : i32
    %dma_wait3A_404 = arith.constant 0 : i32
    %dma_wait3A_405 = tpu.memref_slice %arg7[%dma_wait3A_403, %dma_wait3A_404] : memref<256x128xf32, #tpu.memory_space<vmem>> -> memref<32x128xf32, #tpu.memory_space<vmem>>
    %dma_wait3A_406 = arith.constant 0 : i32
    %dma_wait3A_407 = tpu.memref_slice %arg5[%add3A_260, %dma_wait3A_406] : memref<8192x128xf32, #tpu.memory_space<hbm>> -> memref<32x128xf32, #tpu.memory_space<hbm>>
    %dma_wait3A_408 = arith.constant 0 : i32
    %dma_wait3A_409 = tpu.memref_slice %arg5[%add3A_260, %dma_wait3A_408] : memref<8192x128xf32, #tpu.memory_space<hbm>> -> memref<32x128xf32, #tpu.memory_space<hbm>>
    %dma_wait3A_410 = arith.constant 128 : i32
    %dma_wait3A_411 = arith.constant 0 : i32
    %dma_wait3A_412 = tpu.memref_slice %arg7[%dma_wait3A_410, %dma_wait3A_411] : memref<256x128xf32, #tpu.memory_space<vmem>> -> memref<32x128xf32, #tpu.memory_space<vmem>>
    tpu.wait_dma2 semaphore(%arg22 : memref<!tpu.dma_semaphore, #tpu.memory_space<semaphore_mem>>) src(%dma_wait3A_412 : memref<32x128xf32, #tpu.memory_space<vmem>>) dst(%dma_wait3A_409 : memref<32x128xf32, #tpu.memory_space<hbm>>)
    %dma_wait3A_413 = arith.constant 192 : i32
    %dma_wait3A_414 = arith.constant 0 : i32
    %dma_wait3A_415 = tpu.memref_slice %arg7[%dma_wait3A_413, %dma_wait3A_414] : memref<256x128xf32, #tpu.memory_space<vmem>> -> memref<32x128xf32, #tpu.memory_space<vmem>>
    %dma_wait3A_416 = arith.constant 0 : i32
    %dma_wait3A_417 = tpu.memref_slice %arg5[%add3A_274, %dma_wait3A_416] : memref<8192x128xf32, #tpu.memory_space<hbm>> -> memref<32x128xf32, #tpu.memory_space<hbm>>
    %dma_wait3A_418 = arith.constant 0 : i32
    %dma_wait3A_419 = tpu.memref_slice %arg5[%add3A_274, %dma_wait3A_418] : memref<8192x128xf32, #tpu.memory_space<hbm>> -> memref<32x128xf32, #tpu.memory_space<hbm>>
    %dma_wait3A_420 = arith.constant 192 : i32
    %dma_wait3A_421 = arith.constant 0 : i32
    %dma_wait3A_422 = tpu.memref_slice %arg7[%dma_wait3A_420, %dma_wait3A_421] : memref<256x128xf32, #tpu.memory_space<vmem>> -> memref<32x128xf32, #tpu.memory_space<vmem>>
    tpu.wait_dma2 semaphore(%arg22 : memref<!tpu.dma_semaphore, #tpu.memory_space<semaphore_mem>>) src(%dma_wait3A_422 : memref<32x128xf32, #tpu.memory_space<vmem>>) dst(%dma_wait3A_419 : memref<32x128xf32, #tpu.memory_space<hbm>>)
    %dma_wait3A_423 = arith.constant 32 : i32
    %dma_wait3A_424 = arith.constant 0 : i32
    %dma_wait3A_425 = tpu.memref_slice %arg7[%dma_wait3A_423, %dma_wait3A_424] : memref<256x128xf32, #tpu.memory_space<vmem>> -> memref<32x128xf32, #tpu.memory_space<vmem>>
    %dma_wait3A_426 = arith.constant 0 : i32
    %dma_wait3A_427 = tpu.memref_slice %arg5[%add3A_330, %dma_wait3A_426] : memref<8192x128xf32, #tpu.memory_space<hbm>> -> memref<32x128xf32, #tpu.memory_space<hbm>>
    %dma_wait3A_428 = arith.constant 0 : i32
    %dma_wait3A_429 = tpu.memref_slice %arg5[%add3A_330, %dma_wait3A_428] : memref<8192x128xf32, #tpu.memory_space<hbm>> -> memref<32x128xf32, #tpu.memory_space<hbm>>
    %dma_wait3A_430 = arith.constant 32 : i32
    %dma_wait3A_431 = arith.constant 0 : i32
    %dma_wait3A_432 = tpu.memref_slice %arg7[%dma_wait3A_430, %dma_wait3A_431] : memref<256x128xf32, #tpu.memory_space<vmem>> -> memref<32x128xf32, #tpu.memory_space<vmem>>
    tpu.wait_dma2 semaphore(%arg22 : memref<!tpu.dma_semaphore, #tpu.memory_space<semaphore_mem>>) src(%dma_wait3A_432 : memref<32x128xf32, #tpu.memory_space<vmem>>) dst(%dma_wait3A_429 : memref<32x128xf32, #tpu.memory_space<hbm>>)
    %dma_wait3A_433 = arith.constant 96 : i32
    %dma_wait3A_434 = arith.constant 0 : i32
    %dma_wait3A_435 = tpu.memref_slice %arg7[%dma_wait3A_433, %dma_wait3A_434] : memref<256x128xf32, #tpu.memory_space<vmem>> -> memref<32x128xf32, #tpu.memory_space<vmem>>
    %dma_wait3A_436 = arith.constant 0 : i32
    %dma_wait3A_437 = tpu.memref_slice %arg5[%add3A_344, %dma_wait3A_436] : memref<8192x128xf32, #tpu.memory_space<hbm>> -> memref<32x128xf32, #tpu.memory_space<hbm>>
    %dma_wait3A_438 = arith.constant 0 : i32
    %dma_wait3A_439 = tpu.memref_slice %arg5[%add3A_344, %dma_wait3A_438] : memref<8192x128xf32, #tpu.memory_space<hbm>> -> memref<32x128xf32, #tpu.memory_space<hbm>>
    %dma_wait3A_440 = arith.constant 96 : i32
    %dma_wait3A_441 = arith.constant 0 : i32
    %dma_wait3A_442 = tpu.memref_slice %arg7[%dma_wait3A_440, %dma_wait3A_441] : memref<256x128xf32, #tpu.memory_space<vmem>> -> memref<32x128xf32, #tpu.memory_space<vmem>>
    tpu.wait_dma2 semaphore(%arg22 : memref<!tpu.dma_semaphore, #tpu.memory_space<semaphore_mem>>) src(%dma_wait3A_442 : memref<32x128xf32, #tpu.memory_space<vmem>>) dst(%dma_wait3A_439 : memref<32x128xf32, #tpu.memory_space<hbm>>)
    %dma_wait3A_443 = arith.constant 160 : i32
    %dma_wait3A_444 = arith.constant 0 : i32
    %dma_wait3A_445 = tpu.memref_slice %arg7[%dma_wait3A_443, %dma_wait3A_444] : memref<256x128xf32, #tpu.memory_space<vmem>> -> memref<32x128xf32, #tpu.memory_space<vmem>>
    %dma_wait3A_446 = arith.constant 0 : i32
    %dma_wait3A_447 = tpu.memref_slice %arg5[%add3A_358, %dma_wait3A_446] : memref<8192x128xf32, #tpu.memory_space<hbm>> -> memref<32x128xf32, #tpu.memory_space<hbm>>
    %dma_wait3A_448 = arith.constant 0 : i32
    %dma_wait3A_449 = tpu.memref_slice %arg5[%add3A_358, %dma_wait3A_448] : memref<8192x128xf32, #tpu.memory_space<hbm>> -> memref<32x128xf32, #tpu.memory_space<hbm>>
    %dma_wait3A_450 = arith.constant 160 : i32
    %dma_wait3A_451 = arith.constant 0 : i32
    %dma_wait3A_452 = tpu.memref_slice %arg7[%dma_wait3A_450, %dma_wait3A_451] : memref<256x128xf32, #tpu.memory_space<vmem>> -> memref<32x128xf32, #tpu.memory_space<vmem>>
    tpu.wait_dma2 semaphore(%arg22 : memref<!tpu.dma_semaphore, #tpu.memory_space<semaphore_mem>>) src(%dma_wait3A_452 : memref<32x128xf32, #tpu.memory_space<vmem>>) dst(%dma_wait3A_449 : memref<32x128xf32, #tpu.memory_space<hbm>>)
    %dma_wait3A_453 = arith.constant 224 : i32
    %dma_wait3A_454 = arith.constant 0 : i32
    %dma_wait3A_455 = tpu.memref_slice %arg7[%dma_wait3A_453, %dma_wait3A_454] : memref<256x128xf32, #tpu.memory_space<vmem>> -> memref<32x128xf32, #tpu.memory_space<vmem>>
    %dma_wait3A_456 = arith.constant 0 : i32
    %dma_wait3A_457 = tpu.memref_slice %arg5[%add3A_372, %dma_wait3A_456] : memref<8192x128xf32, #tpu.memory_space<hbm>> -> memref<32x128xf32, #tpu.memory_space<hbm>>
    %dma_wait3A_458 = arith.constant 0 : i32
    %dma_wait3A_459 = tpu.memref_slice %arg5[%add3A_372, %dma_wait3A_458] : memref<8192x128xf32, #tpu.memory_space<hbm>> -> memref<32x128xf32, #tpu.memory_space<hbm>>
    %dma_wait3A_460 = arith.constant 224 : i32
    %dma_wait3A_461 = arith.constant 0 : i32
    %dma_wait3A_462 = tpu.memref_slice %arg7[%dma_wait3A_460, %dma_wait3A_461] : memref<256x128xf32, #tpu.memory_space<vmem>> -> memref<32x128xf32, #tpu.memory_space<vmem>>
    tpu.wait_dma2 semaphore(%arg22 : memref<!tpu.dma_semaphore, #tpu.memory_space<semaphore_mem>>) src(%dma_wait3A_462 : memref<32x128xf32, #tpu.memory_space<vmem>>) dst(%dma_wait3A_459 : memref<32x128xf32, #tpu.memory_space<hbm>>)
    return
  }
}

</mosaic_0001>

<sc_bundles>
// kernel: _sc_embed.3.cloned.1.call-start
scs
__scs_entry_jumppad:
0x0: {  	(pc) =	sbr.rel $0x88, $3  }
0x1: {  	(tag) =	ssettag $0x0;
	lr =	simm.s32 $0x1  }
0x2: {  	[smem:$0x3F9E] =	sst lr;
	_ =	strace $0xD0000000  }
0x3: {  	_ = 	snop  }
0x4: {  	_ = 	snop  }
0x5: {  	_ = 	snop  }
0x6: {  	_ = 	snop  }
0x7: {  	_ = 	snop  }
__scs_overlays_trampoline_lowered:
0x8: {  	[smem:$0x3FAD] =	sst s0  }
0x9: {  	[smem:$0x3FAE] =	sst s1  }
0xa: {  	[smem:$0x3FAF] =	sst s2  }
0xb: {  	[smem:$0x3FB0] =	sst s3  }
0xc: {  	[smem:$0x3FB1] =	sst s4  }
0xd: {  	[smem:$0x3FB2] =	sst s5  }
0xe: {  	[smem:$0x3FB3] =	sst s6  }
0xf: {  	[smem:$0x3FB4] =	sst s7  }
0x10: {  	[smem:$0x3FB5] =	sst s8  }
0x11: {  	[smem:$0x3FB6] =	sst s9;
	s0 =	simm.s32 @!p0 $0x0  }
0x12: {  	s1 =	sld [smem:$0x3F9C];
	s0 =	simm.s32 @p0 $0x1  }
0x13: {  	[smem:$0x3FB7] =	sst s0;
	s0 =	simm.s32 @!p1 $0x0  }
0x14: {  	s2 =	sld [smem:$0x3F9B];
	s0 =	simm.s32 @p1 $0x1  }
0x15: {  	[smem:$0x3FB8] =	sst s0;
	s0 =	simm.s32 @!p2 $0x0  }
0x16: {  	s3 =	sld [smem:$0x3FDB];
	s0 =	simm.s32 @p2 $0x1  }
0x17: {  	s4 =	simm.s32 $0x1BF5;
	[smem:$0x3FBA] =	sst s0  }
0x18: {  	s0 =	sld [smem:$0x3F9D];
	_ =	swait.ge [sflag:s4], $0x0  }
0x19: {  	s7 =	sld [smem:$0x3F9E]  }
0x1a: {  	s8 =	sadd.s32 $0xFFFFE003, lr  }
0x1b: {  	s9 =	sadd.s32 $0xFFFFFEF7, lr;
	s5 =	simm.s32 $0xFFFFFFFF;
	p2 =	slt.u32 s8, $0xFFFFF086  }
0x1c: {  	p1 =	slt.u32 s9, $0xF7A;
	s5 =	simm.s32 @!p2 $0x0  }
0x1d: {  	s5 =	simm.s32 @p1 $0x1;
	p0 =	seq.s32 s7, s2  }
0x1e: {  	s7 =	smul.u32 @!p0 $0xF7A, s2;
	p2 =	seq.s32 @!p0 s5, $0x0  }
0x1f: {  	s9 =	smul.u32 $0xF7A, s1;
	s8 =	simm.s32 @!p0 $0x1BF5;
	p2 =	por !p2, p0  }
0x20: {  	[sflag:s8] =	ssyncset.s32 @!p0 $0xFFFFF086;
	s6 =	sadd.s32 @!p0 s3, s7;
	s7 =	simm.s32 @!p0 $0x108  }
0x21: {  	s3 =	sadd.s32 s3, s9;
	s6 =	sadd.s32 @!p0 $0x88, s6;
	s7 =	simm.s32 @p2 $0x1082  }
0x22: {  	[simem:s7], [sflag:s8] =	dma.local @!p0 [hbm:s6], $0xF7A  }
0x23: {  	s9 =	sor.u32 $0xD0000000, s2;
	s6 =	simm.s32 $0x108;
	_ =	swait.ge @!p0 [sflag:s8], $0x0  }
0x24: {  	s3 =	sadd.s32 $0x88, s3;
	s6 =	simm.s32 @!p1 $0x1082;
	[sflag:s4] =	ssyncset.s32 $0xFFFFF086  }
0x25: {  	[simem:s6], [sflag:s4] =	dma.local [hbm:s3], $0xF7A  }
0x26: {  	[smem:$0x3F9E] =	sst s1;
	(tag) =	ssettag s2;
	_ =	strace s9  }
0x27: {  	s1 =	sld [smem:$0x3FAE]  }
0x28: {  	s2 =	sld [smem:$0x3FAF]  }
0x29: {  	s4 =	sld [smem:$0x3FB1]  }
0x2a: {  	p0 =	seq.s32 s5, $0x0;
	s5 =	sld [smem:$0x3FB2]  }
0x2b: {  	s6 =	sld [smem:$0x3FB3]  }
0x2c: {  	s7 =	sld [smem:$0x3FB4]  }
0x2d: {  	s3 =	simm.s32 $0x108;
	s8 =	sld [smem:$0x3FB5]  }
0x2e: {  	s3 =	simm.s32 @!p0 $0x1082;
	s9 =	sld [smem:$0x3FB6]  }
0x2f: {  	lr =	sadd.s32 s0, s3;
	s0 =	sld [smem:$0x3FAD]  }
0x30: {  	s3 =	sld [smem:$0x3FB0]  }
0x31: {  	[smem:$0x3FB9] =	sst s10  }
0x32: {  	s10 =	sld [smem:$0x3FB7];
	_ =	sdelay $0x3  }
0x33: {  	p0 =	seq.s32 s10, $0x1;
	s10 =	sld [smem:$0x3FB9];
	_ =	sdelay $0x3  }
0x34: {  	[smem:$0x3FB9] =	sst s10  }
0x35: {  	s10 =	sld [smem:$0x3FB8];
	_ =	sdelay $0x3  }
0x36: {  	p1 =	seq.s32 s10, $0x1;
	s10 =	sld [smem:$0x3FB9];
	_ =	sdelay $0x3  }
0x37: {  	[smem:$0x3FB9] =	sst s10  }
0x38: {  	s10 =	sld [smem:$0x3FBA]  }
0x39: {  	_ = 	snop;
	(pc) =	sbr.ind lr, $3  }
0x3a: {  	_ = 	snop  }
0x3b: {  	_ = 	snop  }
0x3c: {  	p2 =	seq.s32 s10, $0x1;
	s10 =	sld [smem:$0x3FB9]  }
0x3d: {  	_ =	shalt  }
0x3e: {  	_ =	shalt  }
0x3f: {  	_ =	shalt  }
0x40: {  	_ =	shalt  }
0x41: {  	_ =	shalt  }
0x42: {  	_ =	shalt  }
0x43: {  	_ =	shalt  }
0x44: {  	_ =	shalt  }
0x45: {  	_ =	shalt  }
0x46: {  	_ =	shalt  }
0x47: {  	_ =	shalt  }
0x48: {  	_ =	shalt  }
0x49: {  	_ =	shalt  }
0x4a: {  	_ =	shalt  }
0x4b: {  	_ =	shalt  }
0x4c: {  	_ =	shalt  }
0x4d: {  	_ =	shalt  }
0x4e: {  	_ =	shalt  }
0x4f: {  	_ =	shalt  }
0x50: {  	_ =	shalt  }
0x51: {  	_ =	shalt  }
0x52: {  	_ =	shalt  }
0x53: {  	_ =	shalt  }
0x54: {  	_ =	shalt  }
0x55: {  	_ =	shalt  }
0x56: {  	_ =	shalt  }
0x57: {  	_ =	shalt  }
0x58: {  	_ =	shalt  }
0x59: {  	_ =	shalt  }
0x5a: {  	_ =	shalt  }
0x5b: {  	_ =	shalt  }
0x5c: {  	_ =	shalt  }
0x5d: {  	_ =	shalt  }
0x5e: {  	_ =	shalt  }
0x5f: {  	_ =	shalt  }
0x60: {  	_ =	shalt  }
0x61: {  	_ =	shalt  }
0x62: {  	_ =	shalt  }
0x63: {  	_ =	shalt  }
0x64: {  	_ =	shalt  }
0x65: {  	_ =	shalt  }
0x66: {  	_ =	shalt  }
0x67: {  	_ =	shalt  }
0x68: {  	_ =	shalt  }
0x69: {  	_ =	shalt  }
0x6a: {  	_ =	shalt  }
0x6b: {  	_ =	shalt  }
0x6c: {  	_ =	shalt  }
0x6d: {  	_ =	shalt  }
0x6e: {  	_ =	shalt  }
0x6f: {  	_ =	shalt  }
0x70: {  	_ =	shalt  }
0x71: {  	_ =	shalt  }
0x72: {  	_ =	shalt  }
0x73: {  	_ =	shalt  }
0x74: {  	_ =	shalt  }
0x75: {  	_ =	shalt  }
0x76: {  	_ =	shalt  }
0x77: {  	_ =	shalt  }
0x78: {  	_ =	shalt  }
0x79: {  	_ =	shalt  }
0x7a: {  	_ =	shalt  }
0x7b: {  	_ =	shalt  }
0x7c: {  	_ =	shalt  }
0x7d: {  	_ =	shalt  }
0x7e: {  	_ =	shalt  }
0x7f: {  	_ =	shalt  }
0x80: {  	_ =	shalt  }
0x81: {  	_ =	shalt  }
0x82: {  	_ =	shalt  }
0x83: {  	_ =	shalt  }
0x84: {  	_ =	shalt  }
0x85: {  	_ =	shalt  }
0x86: {  	_ =	shalt  }
0x87: {  	_ =	shalt  }
.Lfunc_end0:
.L_simem_size_0:
called_computation_lowered:
.L_overlay_start_0:
0x88: {  	s2 =	sld [smem:$0x3FD9]  }
0x89: {  	s3 =	sld [smem:$0x3FFE];
	_ =	sdelay $0x1  }
0x8a: {  	s1 =	srdreg.scid  }
0x8b: {  	s0 =	sand.u32 $0x1, s1  }
0x8c: {  	s18 =	sshll.u32 s0, $0xA;
	s2 =	sadd.s32 s3, s2  }
0x8d: {  	s2 =	sadd.s32 s2, s18  }
0x8e: {  	[smem:$0x3FC5] =	sst s2  }
0x8f: {  	_ = 	snop  }
0x90: {  	s2 =	sld [smem:$0x3FC9]  }
0x91: {  	s19 =	sld [smem:$0x3FC8]  }
0x92: {  	s4 =	sld [smem:$0x3FC7]  }
0x93: {  	s5 =	sld [smem:$0x3FD0];
	(tm) =	ssettm $0x1  }
0x94: {  	s6 =	sld [smem:$0x3FFB];
	_ =	sdelay $0x3  }
0x95: {  	_ =	strace s6  }
0x96: {  	s6 =	sld [smem:$0x3FFC];
	_ =	sdelay $0x3  }
0x97: {  	_ =	strace s6  }
0x98: {  	s6 =	sld [smem:$0x3FFD];
	_ =	sdelay $0x3  }
0x99: {  	_ =	strace s6  }
0x9a: {  	_ =	strace $0x8FFFFFFF  }
0x9b: {  	s20 =	sld [smem:$0x3FDB];
	_ =	sdelay $0x1  }
0x9c: {  	s7 =	simm.s32 $_scs_section_size  }
0x9d: {  	s8 =	simm.s32 $_size__tile_overlayer_lowered;
	s9 =	simm.s32 $_tile_overlayer_lowered  }
0x9e: {  	s23 =	simm.s32 $0x1BFF;
	s22 =	sshll.u32 s9, $0x1;
	s6 =	sadd.s32 s7, s20  }
0x9f: {  	s10 =	simm.s32 $0x0;
	s21 =	sshll.u32 s8, $0x1;
	s8 =	sadd.s32 s22, s6  }
0xa0: {  	[timem:s10], [sflag:s23] =	dma.local [hbm:s8], s21  }
0xa1: {  	_ =	swait.ge [sflag:s23], s21  }
0xa2: {  	s7 =	ssub.s32 $0x0, s21;
	[sflag:s23] =	ssyncset.done $0x0  }
0xa3: {  	[sflag:s23] =	ssyncadd.s32 s7;
	_ =	sdelay $0x1  }
0xa4: {  	s24 =	simm.s32 $0x1B8B  }
0xa5: {  	_ =	swait.ge [sflag:s24], $0x1  }
0xa6: {  	[sflag:s24] =	ssyncset.done $0x0  }
0xa7: {  	s25 =	simm.s32 $0x1B8E;
	[sflag:s24] =	ssyncadd.s32 $0xFFFFFFFF  }
0xa8: {  	s26 =	simm.s32 $execute0_lowered;
	[smem:$0x3FD2] =	sst s25  }
0xa9: {  	s7 =	sshll.u32 s26, $0x1;
	_ =	strace $0x80000046;
	[dreg:$0x1] =	wrdreg $0xFFFFFFFF  }
0xaa: {  	s28 =	simm.s32 $_size_execute0_lowered;
	s6 =	sadd.s32 s6, s7;
	[dreg:$0x0] =	wrdreg $0x0  }
0xab: {  	s7 =	sshll.u32 s28, $0x1;
	[dreg:$0x2] =	wrdreg s6  }
0xac: {  	[dreg:$0x3] =	wrdreg s7  }
0xad: {  	[dreg:$0x4] =	wrdreg $0xC0  }
0xae: {  	_ =	task [dreg:s10], $0x5FFFF  }
0xaf: {  	[dreg:$0x1] =	wrdreg $0xFFFFFFFF  }
0xb0: {  	[dreg:$0x0] =	wrdreg $0x60  }
0xb1: {  	[dreg:$0x2] =	wrdreg s2  }
0xb2: {  	[dreg:$0x3] =	wrdreg s19  }
0xb3: {  	[dreg:$0x4] =	wrdreg s4  }
0xb4: {  	[dreg:$0x5] =	wrdreg s5  }
0xb5: {  	[dreg:$0x6] =	wrdreg $0x9  }
0xb6: {  	_ =	task.clear_ibuf [dreg:s10], $0x7FFFF;
	_ =	strace $0x90000046  }
0xb7: {  	s29 =	simm.s32 $0x9;
	_ =	strace $0x80000048  }
0xb8: {  	_ =	swait.ge [sflag:s29], $0x1  }
0xb9: {  	[sflag:s29] =	ssyncadd.s32 $0xFFFFFFFF  }
0xba: {  	_ =	strace $0x90000048  }
0xbb: {  	_ =	sfence  }
0xbc: {  	s30 =	sld [smem:$0x0];
	_ =	sdelay $0x2  }
0xbd: {  	s31 =	sshll.u32 s1, $0xD;
	s1 =	sshrl.u32 s1, $0x2  }
0xbe: {  	s3 =	sand.u32 $0x4000, s31;
	s1 =	sadd.s32 s1, s30  }
0xbf: {  	s0 =	sor.u32 s3, s0;
	s1 =	sshll.u32 s1, $0x11  }
0xc0: {  	s0 =	sor.u32 s1, s0  }
0xc1: {  	s0 =	sadd.s32 $0x8F2B, s0  }
0xc2: {  	[sflag:s0] =	ssyncadd.remote.s32 $0x1  }
0xc3: {  	_ =	sfence.sel $0xFFFF  }
0xc4: {  	[dreg:$0x0] =	wrdreg $0xFFFFFFFF;
	(pc) =	sbr.abs _section_cstart, $3  }
0xc5: {  	[dreg:$0x1] =	wrdreg $0xFFFFFFFF  }
0xc6: {  	_ =	task.clear_ibuf [dreg:s10], $0x2FFFF;
	_ =	strace $0x9FFFFFFF  }
0xc7: {  	(tm) =	ssettm $0x7FFFFFFF  }
tec
execute0_lowered:
.L_overlay_start_1:
0x0: {  	(tag) =	ssettag $0x1  }
0x1: {  	s5 =	rddreg [dreg:$0x0]  }
0x2: {  	s0 =	srdreg.scid;
	s7 =	rddreg [dreg:$0x2]  }
0x3: {  	s9 =	stileid.u32;
	s8 =	rddreg [dreg:$0x3]  }
0x4: {  	s4 =	simm.s32 $0x1;
	s3 =	simm.s32 $0x0;
	s10 =	simm.s32 $0x80  }
0x5: {  	s29 =	simm.s32 $0x2200;
	s30 =	simm.s32 $0x3;
	s31 =	simm.s32 $0x4200  }
0x6: {  	s0 =	sand.u32 $0x1, s0;
	s1 =	sshll.u32 s9, $0x7;
	[smem:$0x7FF] =	sst s3  }
0x7: {  	s2 =	sshll.u32 s0, $0x6;
	p1 =	seq.s32 s0, $0x1;
	s0 =	ssub.s32 $0x2, s0  }
0x8: {  	s6 =	sor.u32 s2, s1;
	s1 =	rddreg [dreg:$0x1];
	s12 =	sshrl.u32 s0, $0x1  }
0x9: {  	_ =	strace $0x80000047;
	p0 =	seq.s32 s6, $0x0;
	s6 =	sshll.u32 s6, $0x4  }
0xa: {  	s0 =	ssub.s32 s0, s12;
	p0 =	por !p0, !p1;
	s7 =	sadd.s32 s7, s6  }
0xb: {  	s0 =	smax.u32 s0, $0x1;
	p0 =	por !p0, !p0;
	[dreg:$0x8] =	wrdreg s7  }
0xc: {  	[dreg:$0x16] =	wrdreg s0;
	s4 =	simm.s32 @!p0 $0x0;
	s10 =	simm.s32 @!p0 $0x0  }
0xd: {  	s4 =	ssub.s32 s9, s4;
	s16 =	sor.u32 s2, s10;
	s17 =	sadd.s32 $0x80, s10  }
0xe: {  	s19 =	sor.u32 $0x100, s10;
	s11 =	sadd.s32 $0x180, s10;
	s4 =	sshll.u32 s4, $0x6  }
0xf: {  	[dreg:$0x9] =	wrdreg s16;
	s18 =	sor.u32 s2, s17;
	s12 =	sor.u32 s2, s19  }
0x10: {  	s20 =	sor.u32 s2, s11;
	s2 =	sor.u32 $0x20, s2;
	[dreg:$0xa] =	wrdreg s18  }
0x11: {  	s16 =	simm.s32 $0x7;
	s13 =	sand.u32 $0x1FFFFFC0, s4;
	[dreg:$0xb] =	wrdreg s12  }
0x12: {  	s4 =	simm.s32 $0x1;
	[dreg:$0xc] =	wrdreg s20;
	s10 =	sor.u32 s2, s10  }
0x13: {  	s7 =	sor.u32 s2, s17;
	s17 =	sadd.s32 s8, s6;
	s21 =	sor.u32 s2, s19  }
0x14: {  	s2 =	sor.u32 s2, s11;
	s6 =	simm.s32 $0x2;
	s8 =	simm.s32 $0x6200  }
0x15: {  	s11 =	simm.s32 $0x5200;
	s12 =	simm.s32 $0x7200;
	[dreg:$0xd] =	wrdreg s10  }
0x16: {  	s18 =	simm.s32 $0x8;
	s19 =	simm.s32 $0x9;
	[dreg:$0xe] =	wrdreg s7  }
0x17: {  	s20 =	simm.s32 $0xA;
	s5 =	sadd.s32 s5, s13;
	[dreg:$0xf] =	wrdreg s21  }
0x18: {  	[dreg:$0x10] =	wrdreg s2;
	s22 =	sadd.s32 $0x8000, s17;
	s23 =	sadd.s32 $0x10000, s17  }
0x19: {  	s24 =	sadd.s32 $0x18000, s17;
	s25 =	sadd.s32 $0x200, s17;
	[dreg:$0x11] =	wrdreg s22  }
0x1a: {  	s26 =	sadd.s32 $0x8200, s17;
	s28 =	sadd.s32 $0x18200, s17;
	[dreg:$0x12] =	wrdreg s23  }
0x1b: {  	s2 =	simm.s32 $0x20;
	s7 =	simm.s32 $0x4;
	[dreg:$0x13] =	wrdreg s24  }
0x1c: {  	s10 =	simm.s32 $0x3200;
	s13 =	simm.s32 $0xD;
	[dreg:$0x14] =	wrdreg s25  }
0x1d: {  	s21 =	simm.s32 $0xB;
	s9 =	sadd.s32 $0x10, s5;
	[dreg:$0x15] =	wrdreg s26  }
0x1e: {  	s14 =	sadd.s32 $0x20, s5;
	s15 =	sadd.s32 $0x30, s5;
	[dreg:$0x5] =	wrdreg s9  }
0x1f: {  	s26 =	sadd.s32 $0x10200, s17;
	s22 =	simm.s32 $0xC;
	[dreg:$0x6] =	wrdreg s14  }
0x20: {  	s23 =	simm.s32 $0xE;
	s24 =	simm.s32 $0x0;
	[dreg:$0x7] =	wrdreg s15  }
0x21: {  	s9 =	simm.s32 $0x1200;
	s14 =	simm.s32 $0x5;
	s15 =	simm.s32 $0x6  }
.LBB2_1:
0x22: {  	[tilespmem:s3], [sflag:$0x1] =	stream.linear.gather [hbm4b:s5+s3], $0x80, $0x38;
	[tilespmem:$0xA200] =	vst v63  }
0x23: {  	s0 =	simm.s32 $0x80;
	s25 =	rddreg [dreg:$0x5]  }
0x24: {  	[tilespmem:s0], [sflag:$0x2] =	stream.linear.gather [hbm4b:s25+s3], $0x80, $0x38;
	[tilespmem:$0xA200] =	vst v63  }
0x25: {  	s0 =	rddreg [dreg:$0x6];
	s25 =	simm.s32 $0x100  }
0x26: {  	[tilespmem:s25], [sflag:$0x3] =	stream.linear.gather [hbm4b:s0+s3], $0x80, $0x38;
	[tilespmem:$0xA200] =	vst v63  }
0x27: {  	s0 =	rddreg [dreg:$0x7];
	s25 =	simm.s32 $0x180  }
0x28: {  	[tilespmem:s25], [sflag:$0x4] =	stream.linear.gather [hbm4b:s0+s3], $0x80, $0x38;
	[tilespmem:$0xA200] =	vst v63  }
0x29: {  	s0 =	rddreg [dreg:$0x8];
	s25 =	simm.s32 $0x8200  }
0x2a: {  	[tilespmem:s25], [sflag:$0xD] =	stream.linear.gather [hbm4b:s0+s3], $0x2000, $0x38;
	[tilespmem:$0xA200] =	vst v63  }
0x2b: {  	_ =	swait.ge [sflag:s4], $0x80  }
0x2c: {  	[sflag:s4] =	ssyncset.done $0x0  }
0x2d: {  	s25 =	simm.s32 $0x200;
	s0 =	rddreg [dreg:$0x9];
	[sflag:s4] =	ssyncadd.s32 $0xFFFFFF80  }
0x2e: {  	[tilespmem:s25], [sflag:$0x5] =	stream.indirect.gather [hbm4b:s1+s2], $0x80, s0, s2, $0xb8;
	[tilespmem:$0xA200] =	vst v63  }
0x2f: {  	_ =	swait.ge [sflag:s6], $0x80  }
0x30: {  	[sflag:s6] =	ssyncset.done $0x0  }
0x31: {  	s25 =	rddreg [dreg:$0xa];
	[sflag:s6] =	ssyncadd.s32 $0xFFFFFF80  }
0x32: {  	[tilespmem:s29], [sflag:$0x6] =	stream.indirect.gather [hbm4b:s1+s2], $0x80, s25, s2, $0xb8;
	[tilespmem:$0xA200] =	vst v63  }
0x33: {  	_ =	swait.ge [sflag:s30], $0x80  }
0x34: {  	[sflag:s30] =	ssyncset.done $0x0  }
0x35: {  	s25 =	rddreg [dreg:$0xb];
	[sflag:s30] =	ssyncadd.s32 $0xFFFFFF80  }
0x36: {  	[tilespmem:s31], [sflag:$0x7] =	stream.indirect.gather [hbm4b:s1+s2], $0x80, s25, s2, $0xb8;
	[tilespmem:$0xA200] =	vst v63  }
0x37: {  	_ =	swait.ge [sflag:s7], $0x80  }
0x38: {  	[sflag:s7] =	ssyncset.done $0x0  }
0x39: {  	s25 =	rddreg [dreg:$0xc];
	[sflag:s7] =	ssyncadd.s32 $0xFFFFFF80  }
0x3a: {  	[tilespmem:s8], [sflag:$0x8] =	stream.indirect.gather [hbm4b:s1+s2], $0x80, s25, s2, $0xb8;
	[tilespmem:$0xA200] =	vst v63  }
0x3b: {  	s25 =	rddreg [dreg:$0xd]  }
0x3c: {  	[tilespmem:s9], [sflag:$0x9] =	stream.indirect.gather [hbm4b:s1+s2], $0x80, s25, s2, $0xb8;
	[tilespmem:$0xA200] =	vst v63  }
0x3d: {  	s25 =	rddreg [dreg:$0xe]  }
0x3e: {  	[tilespmem:s10], [sflag:$0xA] =	stream.indirect.gather [hbm4b:s1+s2], $0x80, s25, s2, $0xb8;
	[tilespmem:$0xA200] =	vst v63  }
0x3f: {  	s25 =	rddreg [dreg:$0xf]  }
0x40: {  	[tilespmem:s11], [sflag:$0xB] =	stream.indirect.gather [hbm4b:s1+s2], $0x80, s25, s2, $0xb8;
	[tilespmem:$0xA200] =	vst v63  }
0x41: {  	s25 =	rddreg [dreg:$0x10]  }
0x42: {  	[tilespmem:s12], [sflag:$0xC] =	stream.indirect.gather [hbm4b:s1+s2], $0x80, s25, s2, $0xb8;
	[tilespmem:$0xA200] =	vst v63  }
0x43: {  	_ =	swait.ge [sflag:s13], $0x2000  }
0x44: {  	[sflag:s13] =	ssyncset.done $0x0  }
0x45: {  	[sflag:s13] =	ssyncadd.s32 $0xFFFFE000  }
0x46: {  	_ =	swait.ge [sflag:s14], $0x1000  }
0x47: {  	[sflag:s14] =	ssyncset.done $0x0  }
0x48: {  	[sflag:s14] =	ssyncadd.s32 $0xFFFFF000  }
0x49: {  	_ =	swait.ge [sflag:s15], $0x1000  }
0x4a: {  	[sflag:s15] =	ssyncset.done $0x0  }
0x4b: {  	[sflag:s15] =	ssyncadd.s32 $0xFFFFF000  }
0x4c: {  	_ =	swait.ge [sflag:s16], $0x1000  }
0x4d: {  	[sflag:s16] =	ssyncset.done $0x0  }
0x4e: {  	[sflag:s16] =	ssyncadd.s32 $0xFFFFF000  }
0x4f: {  	_ =	swait.ge [sflag:s18], $0x1000  }
0x50: {  	[sflag:s18] =	ssyncset.done $0x0  }
0x51: {  	s0 =	simm.s32 $0x200;
	s25 =	simm.s32 $0x0;
	[sflag:s18] =	ssyncadd.s32 $0xFFFFF000  }
.LBB2_2:
0x52: {  	p0 =	sne.s32 s0, $0x3E00;
	v0 =	vld [tilespmem:s25+$0x8270]  }
0x53: {  	v1 =	vld [tilespmem:s25+$0x8200]  }
0x54: {  	v2 =	vld [tilespmem:s25+$0x8210]  }
0x55: {  	v3 =	vld [tilespmem:s25+$0x8220]  }
0x56: {  	v4 =	vld [tilespmem:s25+$0x8230]  }
0x57: {  	[tilespmem:s25+$0x6270] =	vst.add.f32.msk $0xffff, v0  }
0x58: {  	v5 =	vld [tilespmem:s25+$0x8240]  }
0x59: {  	v6 =	vld [tilespmem:s25+$0x8250]  }
0x5a: {  	v7 =	vld [tilespmem:s25+$0x8260]  }
0x5b: {  	[tilespmem:s25+$0x200] =	vst.add.f32.msk $0xffff, v1  }
0x5c: {  	[tilespmem:s25+$0x2200] =	vst.add.f32.msk $0xffff, v1  }
0x5d: {  	[tilespmem:s25+$0x4200] =	vst.add.f32.msk $0xffff, v1  }
0x5e: {  	[tilespmem:s25+$0x6200] =	vst.add.f32.msk $0xffff, v1  }
0x5f: {  	[tilespmem:s25+$0x210] =	vst.add.f32.msk $0xffff, v2  }
0x60: {  	[tilespmem:s25+$0x2210] =	vst.add.f32.msk $0xffff, v2  }
0x61: {  	[tilespmem:s25+$0x4210] =	vst.add.f32.msk $0xffff, v2  }
0x62: {  	[tilespmem:s25+$0x6210] =	vst.add.f32.msk $0xffff, v2  }
0x63: {  	[tilespmem:s25+$0x220] =	vst.add.f32.msk $0xffff, v3  }
0x64: {  	[tilespmem:s25+$0x2220] =	vst.add.f32.msk $0xffff, v3  }
0x65: {  	[tilespmem:s25+$0x4220] =	vst.add.f32.msk $0xffff, v3  }
0x66: {  	[tilespmem:s25+$0x6220] =	vst.add.f32.msk $0xffff, v3  }
0x67: {  	[tilespmem:s25+$0x230] =	vst.add.f32.msk $0xffff, v4  }
0x68: {  	[tilespmem:s25+$0x2230] =	vst.add.f32.msk $0xffff, v4  }
0x69: {  	[tilespmem:s25+$0x4230] =	vst.add.f32.msk $0xffff, v4  }
0x6a: {  	[tilespmem:s25+$0x6230] =	vst.add.f32.msk $0xffff, v4  }
0x6b: {  	[tilespmem:s25+$0x240] =	vst.add.f32.msk $0xffff, v5  }
0x6c: {  	[tilespmem:s25+$0x2240] =	vst.add.f32.msk $0xffff, v5  }
0x6d: {  	[tilespmem:s25+$0x4240] =	vst.add.f32.msk $0xffff, v5  }
0x6e: {  	[tilespmem:s25+$0x6240] =	vst.add.f32.msk $0xffff, v5  }
0x6f: {  	[tilespmem:s25+$0x250] =	vst.add.f32.msk $0xffff, v6  }
0x70: {  	[tilespmem:s25+$0x2250] =	vst.add.f32.msk $0xffff, v6  }
0x71: {  	[tilespmem:s25+$0x4250] =	vst.add.f32.msk $0xffff, v6  }
0x72: {  	[tilespmem:s25+$0x6250] =	vst.add.f32.msk $0xffff, v6  }
0x73: {  	[tilespmem:s25+$0x260] =	vst.add.f32.msk $0xffff, v7  }
0x74: {  	[tilespmem:s25+$0x2260] =	vst.add.f32.msk $0xffff, v7  }
.Ltmp0:
0x75: {  	[tilespmem:s25+$0x4260] =	vst.add.f32.msk $0xffff, v7;
	(pc) =	sbr.rel @p0 .LBB2_2-.Ltmp0, $4  }
0x76: {  	[tilespmem:s25+$0x6260] =	vst.add.f32.msk $0xffff, v7  }
0x77: {  	[tilespmem:s25+$0x270] =	vst.add.f32.msk $0xffff, v0  }
0x78: {  	[tilespmem:s25+$0x2270] =	vst.add.f32.msk $0xffff, v0  }
0x79: {  	[tilespmem:s25+$0x4270] =	vst.add.f32.msk $0xffff, v0;
	s25 =	sshra.s32 s0, $0x2;
	s0 =	sadd.s32 $0x200, s0  }
0x7a: {  	v0 =	vld [tilespmem:s25+$0x8270]  }
0x7b: {  	v1 =	vld [tilespmem:s25+$0x8200]  }
0x7c: {  	v2 =	vld [tilespmem:s25+$0x8210]  }
0x7d: {  	v3 =	vld [tilespmem:s25+$0x8220]  }
0x7e: {  	v4 =	vld [tilespmem:s25+$0x8230]  }
0x7f: {  	v5 =	vld [tilespmem:s25+$0x8240]  }
0x80: {  	v6 =	vld [tilespmem:s25+$0x8250]  }
0x81: {  	v7 =	vld [tilespmem:s25+$0x8260]  }
0x82: {  	[tilespmem:s25+$0x6270] =	vst.add.f32.msk $0xffff, v0  }
0x83: {  	[tilespmem:s25+$0x200] =	vst.add.f32.msk $0xffff, v1  }
0x84: {  	[tilespmem:s25+$0x2200] =	vst.add.f32.msk $0xffff, v1  }
0x85: {  	[tilespmem:s25+$0x4200] =	vst.add.f32.msk $0xffff, v1  }
0x86: {  	[tilespmem:s25+$0x6200] =	vst.add.f32.msk $0xffff, v1  }
0x87: {  	[tilespmem:s25+$0x210] =	vst.add.f32.msk $0xffff, v2  }
0x88: {  	[tilespmem:s25+$0x2210] =	vst.add.f32.msk $0xffff, v2  }
0x89: {  	[tilespmem:s25+$0x4210] =	vst.add.f32.msk $0xffff, v2  }
0x8a: {  	[tilespmem:s25+$0x6210] =	vst.add.f32.msk $0xffff, v2  }
0x8b: {  	[tilespmem:s25+$0x220] =	vst.add.f32.msk $0xffff, v3  }
0x8c: {  	[tilespmem:s25+$0x2220] =	vst.add.f32.msk $0xffff, v3  }
0x8d: {  	[tilespmem:s25+$0x4220] =	vst.add.f32.msk $0xffff, v3  }
0x8e: {  	[tilespmem:s25+$0x6220] =	vst.add.f32.msk $0xffff, v3  }
0x8f: {  	[tilespmem:s25+$0x230] =	vst.add.f32.msk $0xffff, v4  }
0x90: {  	[tilespmem:s25+$0x2230] =	vst.add.f32.msk $0xffff, v4  }
0x91: {  	[tilespmem:s25+$0x4230] =	vst.add.f32.msk $0xffff, v4  }
0x92: {  	[tilespmem:s25+$0x6230] =	vst.add.f32.msk $0xffff, v4  }
0x93: {  	[tilespmem:s25+$0x240] =	vst.add.f32.msk $0xffff, v5  }
0x94: {  	[tilespmem:s25+$0x2240] =	vst.add.f32.msk $0xffff, v5  }
0x95: {  	[tilespmem:s25+$0x4240] =	vst.add.f32.msk $0xffff, v5  }
0x96: {  	[tilespmem:s25+$0x6240] =	vst.add.f32.msk $0xffff, v5  }
0x97: {  	[tilespmem:s25+$0x250] =	vst.add.f32.msk $0xffff, v6  }
0x98: {  	[tilespmem:s25+$0x2250] =	vst.add.f32.msk $0xffff, v6  }
0x99: {  	[tilespmem:s25+$0x4250] =	vst.add.f32.msk $0xffff, v6  }
0x9a: {  	[tilespmem:s25+$0x6250] =	vst.add.f32.msk $0xffff, v6  }
0x9b: {  	[tilespmem:s25+$0x260] =	vst.add.f32.msk $0xffff, v7  }
0x9c: {  	[tilespmem:s25+$0x2260] =	vst.add.f32.msk $0xffff, v7  }
0x9d: {  	[tilespmem:s25+$0x4260] =	vst.add.f32.msk $0xffff, v7  }
0x9e: {  	[tilespmem:s25+$0x6260] =	vst.add.f32.msk $0xffff, v7  }
0x9f: {  	[tilespmem:s25+$0x270] =	vst.add.f32.msk $0xffff, v0  }
0xa0: {  	[tilespmem:s25+$0x2270] =	vst.add.f32.msk $0xffff, v0  }
0xa1: {  	s0 =	simm.s32 $0x0;
	[tilespmem:s25+$0x4270] =	vst.add.f32.msk $0xffff, v0;
	s25 =	simm.s32 $0x200  }
0xa2: {  	[hbm4b:s17+s0] =	stream.linear.scatter [tilespmem:s25], [sflag:$0xE], $0x1000, $0x38;
	[tilespmem:$0xA200] =	vst v63  }
0xa3: {  	s25 =	rddreg [dreg:$0x11]  }
0xa4: {  	[hbm4b:s25+s0] =	stream.linear.scatter [tilespmem:s29], [sflag:$0xE], $0x1000, $0x38;
	[tilespmem:$0xA200] =	vst v63  }
0xa5: {  	s25 =	rddreg [dreg:$0x12]  }
0xa6: {  	[hbm4b:s25+s0] =	stream.linear.scatter [tilespmem:s31], [sflag:$0xE], $0x1000, $0x38;
	[tilespmem:$0xA200] =	vst v63  }
0xa7: {  	s25 =	rddreg [dreg:$0x13]  }
0xa8: {  	[hbm4b:s25+s0] =	stream.linear.scatter [tilespmem:s8], [sflag:$0xE], $0x1000, $0x38;
	[tilespmem:$0xA200] =	vst v63  }
0xa9: {  	_ =	swait.ge [sflag:s19], $0x1000  }
0xaa: {  	[sflag:s19] =	ssyncset.done $0x0  }
0xab: {  	[sflag:s19] =	ssyncadd.s32 $0xFFFFF000  }
0xac: {  	_ =	swait.ge [sflag:s20], $0x1000  }
0xad: {  	[sflag:s20] =	ssyncset.done $0x0  }
0xae: {  	[sflag:s20] =	ssyncadd.s32 $0xFFFFF000  }
0xaf: {  	_ =	swait.ge [sflag:s21], $0x1000  }
0xb0: {  	[sflag:s21] =	ssyncset.done $0x0  }
0xb1: {  	[sflag:s21] =	ssyncadd.s32 $0xFFFFF000  }
0xb2: {  	_ =	swait.ge [sflag:s22], $0x1000  }
0xb3: {  	[sflag:s22] =	ssyncset.done $0x0  }
0xb4: {  	s25 =	simm.s32 $0x0;
	s0 =	simm.s32 $0x200;
	[sflag:s22] =	ssyncadd.s32 $0xFFFFF000  }
.LBB2_4:
0xb5: {  	p0 =	sne.s32 s0, $0x3E00;
	v0 =	vld [tilespmem:s25+$0x9270]  }
0xb6: {  	v1 =	vld [tilespmem:s25+$0x9200]  }
0xb7: {  	v2 =	vld [tilespmem:s25+$0x9210]  }
0xb8: {  	v3 =	vld [tilespmem:s25+$0x9220]  }
0xb9: {  	v4 =	vld [tilespmem:s25+$0x9230]  }
0xba: {  	[tilespmem:s25+$0x7270] =	vst.add.f32.msk $0xffff, v0  }
0xbb: {  	v5 =	vld [tilespmem:s25+$0x9240]  }
0xbc: {  	v6 =	vld [tilespmem:s25+$0x9250]  }
0xbd: {  	v7 =	vld [tilespmem:s25+$0x9260]  }
0xbe: {  	[tilespmem:s25+$0x1200] =	vst.add.f32.msk $0xffff, v1  }
0xbf: {  	[tilespmem:s25+$0x3200] =	vst.add.f32.msk $0xffff, v1  }
0xc0: {  	[tilespmem:s25+$0x5200] =	vst.add.f32.msk $0xffff, v1  }
0xc1: {  	[tilespmem:s25+$0x7200] =	vst.add.f32.msk $0xffff, v1  }
0xc2: {  	[tilespmem:s25+$0x1210] =	vst.add.f32.msk $0xffff, v2  }
0xc3: {  	[tilespmem:s25+$0x3210] =	vst.add.f32.msk $0xffff, v2  }
0xc4: {  	[tilespmem:s25+$0x5210] =	vst.add.f32.msk $0xffff, v2  }
0xc5: {  	[tilespmem:s25+$0x7210] =	vst.add.f32.msk $0xffff, v2  }
0xc6: {  	[tilespmem:s25+$0x1220] =	vst.add.f32.msk $0xffff, v3  }
0xc7: {  	[tilespmem:s25+$0x3220] =	vst.add.f32.msk $0xffff, v3  }
0xc8: {  	[tilespmem:s25+$0x5220] =	vst.add.f32.msk $0xffff, v3  }
0xc9: {  	[tilespmem:s25+$0x7220] =	vst.add.f32.msk $0xffff, v3  }
0xca: {  	[tilespmem:s25+$0x1230] =	vst.add.f32.msk $0xffff, v4  }
0xcb: {  	[tilespmem:s25+$0x3230] =	vst.add.f32.msk $0xffff, v4  }
0xcc: {  	[tilespmem:s25+$0x5230] =	vst.add.f32.msk $0xffff, v4  }
0xcd: {  	[tilespmem:s25+$0x7230] =	vst.add.f32.msk $0xffff, v4  }
0xce: {  	[tilespmem:s25+$0x1240] =	vst.add.f32.msk $0xffff, v5  }
0xcf: {  	[tilespmem:s25+$0x3240] =	vst.add.f32.msk $0xffff, v5  }
0xd0: {  	[tilespmem:s25+$0x5240] =	vst.add.f32.msk $0xffff, v5  }
0xd1: {  	[tilespmem:s25+$0x7240] =	vst.add.f32.msk $0xffff, v5  }
0xd2: {  	[tilespmem:s25+$0x1250] =	vst.add.f32.msk $0xffff, v6  }
0xd3: {  	[tilespmem:s25+$0x3250] =	vst.add.f32.msk $0xffff, v6  }
0xd4: {  	[tilespmem:s25+$0x5250] =	vst.add.f32.msk $0xffff, v6  }
0xd5: {  	[tilespmem:s25+$0x7250] =	vst.add.f32.msk $0xffff, v6  }
0xd6: {  	[tilespmem:s25+$0x1260] =	vst.add.f32.msk $0xffff, v7  }
0xd7: {  	[tilespmem:s25+$0x3260] =	vst.add.f32.msk $0xffff, v7  }
.Ltmp1:
0xd8: {  	[tilespmem:s25+$0x5260] =	vst.add.f32.msk $0xffff, v7;
	(pc) =	sbr.rel @p0 .LBB2_4-.Ltmp1, $4  }
0xd9: {  	[tilespmem:s25+$0x7260] =	vst.add.f32.msk $0xffff, v7  }
0xda: {  	[tilespmem:s25+$0x1270] =	vst.add.f32.msk $0xffff, v0  }
0xdb: {  	[tilespmem:s25+$0x3270] =	vst.add.f32.msk $0xffff, v0  }
0xdc: {  	[tilespmem:s25+$0x5270] =	vst.add.f32.msk $0xffff, v0;
	s25 =	sshra.s32 s0, $0x2;
	s0 =	sadd.s32 $0x200, s0  }
0xdd: {  	v0 =	vld [tilespmem:s25+$0x9270]  }
0xde: {  	v1 =	vld [tilespmem:s25+$0x9200]  }
0xdf: {  	v2 =	vld [tilespmem:s25+$0x9210]  }
0xe0: {  	v3 =	vld [tilespmem:s25+$0x9220]  }
0xe1: {  	v4 =	vld [tilespmem:s25+$0x9230]  }
0xe2: {  	v5 =	vld [tilespmem:s25+$0x9240]  }
0xe3: {  	v6 =	vld [tilespmem:s25+$0x9250]  }
0xe4: {  	v7 =	vld [tilespmem:s25+$0x9260]  }
0xe5: {  	[tilespmem:s25+$0x7270] =	vst.add.f32.msk $0xffff, v0  }
0xe6: {  	[tilespmem:s25+$0x1200] =	vst.add.f32.msk $0xffff, v1  }
0xe7: {  	[tilespmem:s25+$0x3200] =	vst.add.f32.msk $0xffff, v1  }
0xe8: {  	[tilespmem:s25+$0x5200] =	vst.add.f32.msk $0xffff, v1  }
0xe9: {  	[tilespmem:s25+$0x7200] =	vst.add.f32.msk $0xffff, v1  }
0xea: {  	[tilespmem:s25+$0x1210] =	vst.add.f32.msk $0xffff, v2  }
0xeb: {  	[tilespmem:s25+$0x3210] =	vst.add.f32.msk $0xffff, v2  }
0xec: {  	[tilespmem:s25+$0x5210] =	vst.add.f32.msk $0xffff, v2  }
0xed: {  	[tilespmem:s25+$0x7210] =	vst.add.f32.msk $0xffff, v2  }
0xee: {  	[tilespmem:s25+$0x1220] =	vst.add.f32.msk $0xffff, v3  }
0xef: {  	[tilespmem:s25+$0x3220] =	vst.add.f32.msk $0xffff, v3  }
0xf0: {  	[tilespmem:s25+$0x5220] =	vst.add.f32.msk $0xffff, v3  }
0xf1: {  	[tilespmem:s25+$0x7220] =	vst.add.f32.msk $0xffff, v3  }
0xf2: {  	[tilespmem:s25+$0x1230] =	vst.add.f32.msk $0xffff, v4  }
0xf3: {  	[tilespmem:s25+$0x3230] =	vst.add.f32.msk $0xffff, v4  }
0xf4: {  	[tilespmem:s25+$0x5230] =	vst.add.f32.msk $0xffff, v4  }
0xf5: {  	[tilespmem:s25+$0x7230] =	vst.add.f32.msk $0xffff, v4  }
0xf6: {  	[tilespmem:s25+$0x1240] =	vst.add.f32.msk $0xffff, v5  }
0xf7: {  	[tilespmem:s25+$0x3240] =	vst.add.f32.msk $0xffff, v5  }
0xf8: {  	[tilespmem:s25+$0x5240] =	vst.add.f32.msk $0xffff, v5  }
0xf9: {  	[tilespmem:s25+$0x7240] =	vst.add.f32.msk $0xffff, v5  }
0xfa: {  	[tilespmem:s25+$0x1250] =	vst.add.f32.msk $0xffff, v6  }
0xfb: {  	[tilespmem:s25+$0x3250] =	vst.add.f32.msk $0xffff, v6  }
0xfc: {  	[tilespmem:s25+$0x5250] =	vst.add.f32.msk $0xffff, v6  }
0xfd: {  	[tilespmem:s25+$0x7250] =	vst.add.f32.msk $0xffff, v6  }
0xfe: {  	[tilespmem:s25+$0x1260] =	vst.add.f32.msk $0xffff, v7  }
0xff: {  	[tilespmem:s25+$0x3260] =	vst.add.f32.msk $0xffff, v7  }
0x100: {  	[tilespmem:s25+$0x5260] =	vst.add.f32.msk $0xffff, v7  }
0x101: {  	[tilespmem:s25+$0x7260] =	vst.add.f32.msk $0xffff, v7  }
0x102: {  	[tilespmem:s25+$0x1270] =	vst.add.f32.msk $0xffff, v0  }
0x103: {  	[tilespmem:s25+$0x3270] =	vst.add.f32.msk $0xffff, v0  }
0x104: {  	s0 =	rddreg [dreg:$0x14];
	[tilespmem:s25+$0x5270] =	vst.add.f32.msk $0xffff, v0  }
0x105: {  	[hbm4b:s0+s3] =	stream.linear.scatter [tilespmem:s9], [sflag:$0xE], $0x1000, $0x38;
	[tilespmem:$0xA200] =	vst v63  }
0x106: {  	s25 =	rddreg [dreg:$0x15]  }
0x107: {  	[hbm4b:s25+s3] =	stream.linear.scatter [tilespmem:s10], [sflag:$0xE], $0x1000, $0x38;
	[tilespmem:$0xA200] =	vst v63  }
0x108: {  	_ = 	snop  }
0x109: {  	[hbm4b:s26+s3] =	stream.linear.scatter [tilespmem:s11], [sflag:$0xE], $0x1000, $0x38;
	[tilespmem:$0xA200] =	vst v63  }
0x10a: {  	_ = 	snop  }
0x10b: {  	[hbm4b:s28+s3] =	stream.linear.scatter [tilespmem:s12], [sflag:$0xE], $0x1000, $0x38;
	[tilespmem:$0xA200] =	vst v63  }
0x10c: {  	_ =	swait.ge [sflag:s23], $0x1000  }
0x10d: {  	[sflag:s23] =	ssyncset.done $0x0  }
0x10e: {  	[sflag:s23] =	ssyncadd.s32 $0xFFFFF000  }
0x10f: {  	_ =	swait.ge [sflag:s23], $0x1000  }
0x110: {  	[sflag:s23] =	ssyncset.done $0x0  }
0x111: {  	[sflag:s23] =	ssyncadd.s32 $0xFFFFF000  }
0x112: {  	_ =	swait.ge [sflag:s23], $0x1000  }
0x113: {  	[sflag:s23] =	ssyncset.done $0x0  }
0x114: {  	[sflag:s23] =	ssyncadd.s32 $0xFFFFF000  }
0x115: {  	_ =	swait.ge [sflag:s23], $0x1000  }
0x116: {  	[sflag:s23] =	ssyncset.done $0x0  }
0x117: {  	[sflag:s23] =	ssyncadd.s32 $0xFFFFF000  }
0x118: {  	_ =	swait.ge [sflag:s23], $0x1000  }
0x119: {  	[sflag:s23] =	ssyncset.done $0x0  }
0x11a: {  	[sflag:s23] =	ssyncadd.s32 $0xFFFFF000  }
0x11b: {  	_ =	swait.ge [sflag:s23], $0x1000  }
0x11c: {  	[sflag:s23] =	ssyncset.done $0x0  }
0x11d: {  	[sflag:s23] =	ssyncadd.s32 $0xFFFFF000  }
0x11e: {  	_ =	swait.ge [sflag:s23], $0x1000  }
0x11f: {  	[sflag:s23] =	ssyncset.done $0x0  }
0x120: {  	[sflag:s23] =	ssyncadd.s32 $0xFFFFF000  }
0x121: {  	_ =	swait.ge [sflag:s23], $0x1000  }
0x122: {  	s24 =	sadd.s32 $0x1, s24;
	s25 =	rddreg [dreg:$0x16]  }
0x123: {  	p0 =	sne.s32 s24, s25  }
.Ltmp2:
0x124: {  	_ = 	snop;
	(pc) =	sbr.rel @p0 .LBB2_1-.Ltmp2, $3  }
0x125: {  	_ =	sdelay $0x1  }
0x126: {  	[sflag:s23] =	ssyncset.done $0x0  }
0x127: {  	[sflag:s23] =	ssyncadd.s32 $0xFFFFF000  }
0x128: {  	_ =	sfence.sel $0x180000  }
0x129: {  	[bflag:$0x0] =	sbarrier.arrive $0xFFFF  }
0x12a: {  	_ =	strace $0x90000047  }
0x12b: {  	s0 =	stileid.u32;
	[bflag:$0x2] =	sbarrier.arrive $0xFFFF  }
0x12c: {  	p0 =	sne.s32 s0, $0x0;
	s0 =	rddreg [dreg:$0x4]  }
0x12d: {  	s0 =	sadd.s32 @!p0 $0x100000, s0  }
0x12e: {  	[sflag:s0] =	ssyncadd.tile.s32 @!p0 $0x1;
	_ =	shalt  }
.Lfunc_end2:
_tile_overlayer_lowered:
.L_overlay_start_2:
0x12f: {  	(tag) =	ssettag $0x2  }
0x130: {  	s0 =	rddreg [dreg:$0x0];
	s2 =	stileid.u32  }
0x131: {  	s1 =	rddreg [dreg:$0x1];
	p0 =	sne.s32 s2, $0x0  }
0x132: {  	s3 =	rddreg [dreg:$0x2];
	[bflag:$0x3] =	sbarrier.arrive $0xFFFF;
	s2 =	simm.s32 @!p0 $0x1C0F  }
0x133: {  	[timem:s3], [sflag:s2] =	dma.local @!p0 [hbm:s0], s1  }
0x134: {  	s0 =	simm.s32 @!p0 $0xF  }
0x135: {  	_ =	swait.ge @!p0 [sflag:s0], s1  }
0x136: {  	s1 =	ssub.s32 @!p0 $0x0, s1;
	[sflag:s0] =	ssyncset.done @!p0 $0x0  }
0x137: {  	[sflag:s0] =	ssyncadd.s32 @!p0 s1  }
0x138: {  	[bflag:$0x3] =	sbarrier.arrive $0xFFFF  }
0x139: {  	_ =	shalt  }

</sc_bundles>
